<compile_context>
chip_gen: v7x
topology: tpu7x:2x2x1
jax: 0.10.2.dev20260603
libtpu: 0.0.44.dev20260713+nightly
codegen_flags: <defaults>
</compile_context>

<pallas_src>
import functools

import jax
import jax.numpy as jnp
from jax import lax
from jax.experimental import pallas as pl
from jax.experimental.pallas import tpu as pltpu
from jax.experimental.pallas import tpu_sc as plsc

B, T = 512, 17
SLOT_DIM, EMB_DIM, ACTION_DIM, NUM_ACTIONS = 64, 64, 32, 8192
BB = 128
NB = B // BB
R = BB * (T - 1)
KC = 2048
NK = NUM_ACTIONS // KC
NROWS = B * (T - 1)
NW = 32
CH = 128
CPW = NROWS // (NW * CH)


def _bmm(a, b):
    return lax.dot_general(a.astype(jnp.bfloat16), b.astype(jnp.bfloat16),
                           (((1,), (0,)), ((), ())),
                           preferred_element_type=jnp.float32)


def _front_body(slots_ref, noise_ref, we_ref, be_ref, wm_ref, bm_ref,
                wv_ref, bv_ref, z_ref):
    s_cat = jnp.concatenate([slots_ref[t] for t in range(T)], axis=0)
    tok = jnp.maximum(_bmm(s_cat, we_ref[...]) + be_ref[...], 0.0)
    mc = _bmm(tok, wm_ref[...]) + bm_ref[...]
    vc = jnp.abs(_bmm(tok, wv_ref[...]) + bv_ref[...])
    md = mc[BB:] - mc[:-BB]
    vs = vc[BB:] + vc[:-BB]
    n_cat = jnp.concatenate([noise_ref[t] for t in range(T - 1)], axis=0)
    z_ref[...] = n_cat * jnp.sqrt(vs + 1e-6) + md


def _dist_body(z_ref, zn_ref, cb_ref, cn_ref, idx_ref, bd_s, bi_s, io_s):
    k = pl.program_id(1)
    i = pl.program_id(0)

    @pl.when(jnp.logical_and(i == 0, k == 0))
    def _iota_init():
        io_s[...] = lax.broadcasted_iota(
            jnp.int32, (R, KC), 1).astype(jnp.float32)
    z2 = z_ref[...]
    m2 = lax.dot_general((z2 + z2).astype(jnp.bfloat16), cb_ref[...],
                         (((1,), (1,)), ((), ())),
                         preferred_element_type=jnp.float32)
    d = zn_ref[...] - m2 + cn_ref[...][None, :]
    dmin = jnp.min(d, axis=1, keepdims=True)
    iota_f = lax.broadcasted_iota(jnp.int32, (R, KC), 1).astype(jnp.float32)
    cand = jnp.min(jnp.where(d == dmin, iota_f, jnp.float32(1e9)),
                   axis=1, keepdims=True).astype(jnp.int32) + k * KC
    dminq = dmin.astype(jnp.bfloat16).astype(jnp.float32)

    @pl.when(k == 0)
    def _first():
        bd_s[...] = dminq
        bi_s[...] = cand

    @pl.when(k != 0)
    def _rest():
        upd = dmin < bd_s[...]
        bi_s[...] = jnp.where(upd, cand, bi_s[...])
        bd_s[...] = jnp.where(upd, dminq, bd_s[...])

    @pl.when(k == NK - 1)
    def _finish():
        idx_ref[...] = bi_s[...]


def _sc_body(cb_hbm, idx_hbm, z_hbm, st_hbm, part_hbm,
             idx_v, q_v, zr_v, st_v, acc_v, sem1, sem2):
    wid = lax.axis_index("s") * 2 + lax.axis_index("c")
    acc = jnp.zeros((16,), jnp.float32)
    for cc in range(CPW):
        c = wid * CPW + cc
        pltpu.sync_copy(idx_hbm.at[c], idx_v)
        cp1 = pltpu.async_copy(cb_hbm.at[idx_v], q_v, sem1)
        cp2 = pltpu.async_copy(z_hbm.at[pl.ds(c * CH, CH)], zr_v, sem2)
        cp1.wait()
        cp2.wait()

        def row(r, a):
            z0 = zr_v[r, pl.ds(0, 16)]
            z1 = zr_v[r, pl.ds(16, 16)]
            q0 = q_v[r, pl.ds(0, 16)]
            q1 = q_v[r, pl.ds(16, 16)]
            st_v[r, pl.ds(0, 16)] = z0 + (q0 - z0)
            st_v[r, pl.ds(16, 16)] = z1 + (q1 - z1)
            d0 = z0 - q0
            d1 = z1 - q1
            return a + d0 * d0 + d1 * d1

        acc = lax.fori_loop(0, CH, row, acc)
        pltpu.sync_copy(st_v, st_hbm.at[pl.ds(c * CH, CH)])
    acc_v[...] = acc
    pltpu.sync_copy(acc_v, part_hbm.at[wid])


@jax.jit
def kernel(slots, noise, W_enc, b_enc, W_mean, b_mean, W_var, b_var, codebook):
    slots_t = jnp.transpose(slots, (1, 0, 2))
    noise_t = jnp.transpose(noise, (1, 0, 2))

    z_rows = pl.pallas_call(
        _front_body,
        grid=(NB,),
        in_specs=[
            pl.BlockSpec((T, BB, SLOT_DIM), lambda i: (0, i, 0)),
            pl.BlockSpec((T - 1, BB, ACTION_DIM), lambda i: (0, i, 0)),
            pl.BlockSpec((SLOT_DIM, EMB_DIM), lambda i: (0, 0)),
            pl.BlockSpec((EMB_DIM,), lambda i: (0,)),
            pl.BlockSpec((EMB_DIM, ACTION_DIM), lambda i: (0, 0)),
            pl.BlockSpec((ACTION_DIM,), lambda i: (0,)),
            pl.BlockSpec((EMB_DIM, ACTION_DIM), lambda i: (0, 0)),
            pl.BlockSpec((ACTION_DIM,), lambda i: (0,)),
        ],
        out_specs=pl.BlockSpec((R, ACTION_DIM), lambda i: (i, 0)),
        out_shape=jax.ShapeDtypeStruct((NROWS, ACTION_DIM), jnp.float32),
        compiler_params=pltpu.CompilerParams(
            dimension_semantics=("arbitrary",)),
    )(slots_t, noise_t, W_enc, b_enc, W_mean, b_mean, W_var, b_var)

    zn = jnp.sum(z_rows ** 2, axis=1, keepdims=True)
    cn = jnp.sum(codebook ** 2, axis=1)

    idx_rows = pl.pallas_call(
        _dist_body,
        grid=(NB, NK),
        in_specs=[
            pl.BlockSpec((R, ACTION_DIM), lambda i, k: (i, 0)),
            pl.BlockSpec((R, 1), lambda i, k: (i, 0)),
            pl.BlockSpec((KC, ACTION_DIM), lambda i, k: (k, 0)),
            pl.BlockSpec((KC,), lambda i, k: (k,)),
        ],
        out_specs=pl.BlockSpec((R, 1), lambda i, k: (i, 0)),
        out_shape=jax.ShapeDtypeStruct((NROWS, 1), jnp.int32),
        scratch_shapes=[
            pltpu.VMEM((R, 1), jnp.float32),
            pltpu.VMEM((R, 1), jnp.int32),
            pltpu.VMEM((R, KC), jnp.float32),
        ],
        compiler_params=pltpu.CompilerParams(
            dimension_semantics=("arbitrary", "arbitrary")),
    )(z_rows, zn, codebook, cn)

    idx = idx_rows.reshape(NB, T - 1, BB).transpose(0, 2, 1).reshape(B, T - 1)

    cb_pad = jnp.pad(codebook, ((0, 0), (0, 128 - ACTION_DIM)))

    sc = pl.kernel(
        _sc_body,
        mesh=plsc.VectorSubcoreMesh(core_axis_name="c", subcore_axis_name="s"),
        out_type=[
            jax.ShapeDtypeStruct((NROWS, ACTION_DIM), jnp.float32),
            jax.ShapeDtypeStruct((NW, 16), jnp.float32),
        ],
        scratch_types=[
            pltpu.VMEM((CH,), jnp.int32),
            pltpu.VMEM((CH, 128), jnp.float32),
            pltpu.VMEM((CH, ACTION_DIM), jnp.float32),
            pltpu.VMEM((CH, ACTION_DIM), jnp.float32),
            pltpu.VMEM((16,), jnp.float32),
            pltpu.SemaphoreType.DMA,
            pltpu.SemaphoreType.DMA,
        ],
    )
    st_tm, part = sc(cb_pad, idx_rows.reshape(NROWS // CH, CH), z_rows)

    st = st_tm.reshape(NB, T - 1, BB, ACTION_DIM).transpose(0, 2, 1, 3)
    st = st.reshape(B, T - 1, ACTION_DIM)
    l = jnp.sum(part) / (B * (T - 1) * ACTION_DIM)
    vq_loss = l + 0.25 * l
    return st, idx, vq_loss

# --- scband reference (transcript-rebuilt; emitter-appended) ---
"""Pipeline reference for scband-base-slot-latent-action-6390911337111 (READ-ONLY COPY).

The authoritative reference and input builder live on the scoring server;
editing this copy changes nothing except your own understanding.
"""

import jax, jax.numpy as jnp
import numpy as np

B, T = 512, 17
SLOT_DIM, EMB_DIM, ACTION_DIM, NUM_ACTIONS = 64, 64, 32, 8192


def setup_inputs(seed: int = 0) -> dict:
    key = jax.random.key(seed)
    ks = jax.random.split(key, 10)
    slots = jax.random.normal(ks[0], (B, T, SLOT_DIM), dtype=jnp.float32)
    noise = jax.random.normal(ks[1], (B, T - 1, ACTION_DIM), dtype=jnp.float32)
    W_enc = jax.random.normal(ks[2], (SLOT_DIM, EMB_DIM), dtype=jnp.float32) * 0.05
    b_enc = jnp.zeros((EMB_DIM,), dtype=jnp.float32)
    W_mean = jax.random.normal(ks[3], (EMB_DIM, ACTION_DIM), dtype=jnp.float32) * 0.05
    b_mean = jnp.zeros((ACTION_DIM,), dtype=jnp.float32)
    W_var = jax.random.normal(ks[4], (EMB_DIM, ACTION_DIM), dtype=jnp.float32) * 0.05
    b_var = jnp.zeros((ACTION_DIM,), dtype=jnp.float32)
    codebook = jax.random.normal(ks[5], (NUM_ACTIONS, ACTION_DIM), dtype=jnp.float32) * 0.05
    return {
        "slots": slots,
        "noise": noise,
        "W_enc": W_enc,
        "b_enc": b_enc,
        "W_mean": W_mean,
        "b_mean": b_mean,
        "W_var": W_var,
        "b_var": b_var,
        "codebook": codebook,
    }


def reference(slots, noise, W_enc, b_enc, W_mean, b_mean, W_var, b_var, codebook):
    # slot encoder (linear + relu), one token per frame
    tokens = jnp.maximum(jnp.einsum("btd,de->bte", slots, W_enc) + b_enc, 0.0)
    # comput_action_dist
    mean_token = jnp.einsum("bte,ea->bta", tokens, W_mean) + b_mean
    var_token = jnp.abs(jnp.einsum("bte,ea->bta", tokens, W_var) + b_var)
    action_dir_mean = mean_token[:, 1:] - mean_token[:, :-1]
    action_dir_var = var_token[:, 1:] + var_token[:, :-1]
    # sample (reparameterized with externally supplied noise)
    z = noise * jnp.sqrt(action_dir_var + 1e-6) + action_dir_mean
    # VectorQuantizer (copy-gradients / straight-through trick, nbooks=1)
    z_flat = z.reshape(-1, codebook.shape[1])
    dist = (
        jnp.sum(z_flat ** 2, axis=1, keepdims=True)
        - 2.0 * z_flat @ codebook.T
        + jnp.sum(codebook ** 2, axis=1)[None, :]
    )
    idx = jnp.argmin(dist, axis=1)
    z_q = jnp.take(codebook, idx, axis=0).reshape(z.shape)
    commit_loss = jnp.mean((z - jax.lax.stop_gradient(z_q)) ** 2)
    codebook_loss = jnp.mean((jax.lax.stop_gradient(z) - z_q) ** 2)
    vq_loss = codebook_loss + 0.25 * commit_loss
    z_q_st = z + jax.lax.stop_gradient(z_q - z)
    return z_q_st, idx.reshape(z.shape[:-1]), vq_loss

if __name__ == "__main__":
    import jax
    _d = setup_inputs()
    print(jax.jit(kernel)(*tuple(_d.values())))

</pallas_src>

<mosaic_0001>
#map = affine_map<(d0, d1) -> (0, 0)>
module attributes {stable_mosaic.version = 14 : i64} {
  func.func @_sc_body(%arg0: i32, %arg1: i32, %arg2: memref<8192x128xf32, #tpu.memory_space<hbm>>, %arg3: memref<64x128xi32, #tpu.memory_space<hbm>>, %arg4: memref<8192x32xf32, #tpu.memory_space<hbm>>, %arg5: memref<8192x32xf32, #tpu.memory_space<hbm>>, %arg6: memref<32x16xf32, #tpu.memory_space<hbm>>, %arg7: memref<128xi32, #tpu.memory_space<vmem>>, %arg8: memref<128x128xf32, #tpu.memory_space<vmem>>, %arg9: memref<128x32xf32, #tpu.memory_space<vmem>>, %arg10: memref<128x32xf32, #tpu.memory_space<vmem>>, %arg11: memref<16xf32, #tpu.memory_space<vmem>>, %arg12: memref<!tpu.dma_semaphore, #tpu.memory_space<semaphore_mem>>, %arg13: memref<!tpu.dma_semaphore, #tpu.memory_space<semaphore_mem>>) attributes {dimension_semantics = [#tpu.dimension_semantics<core_parallel>, #tpu.dimension_semantics<subcore_parallel>], iteration_bounds = array<i64: 2, 16>, scalar_prefetch = 0 : i64, scratch_operands = 7 : i64, tpu.core_type = #tpu.core_type<sc_vector_subcore>, window_params = [{transform_indices = #map}, {transform_indices = #map}, {transform_indices = #map}, {transform_indices = #map}, {transform_indices = #map}]} {
    %mul3A = arith.constant 2 : i32
    %mul3A_0 = arith.muli %arg1, %mul3A : i32
    %add3A = arith.addi %mul3A_0, %arg0 : i32
    %broadcast_in_dim3A = arith.constant 0.000000e+00 : f32
    %broadcast_in_dim3A_1 = vector.broadcast %broadcast_in_dim3A : f32 to vector<16xf32>
    %mul3A_2 = arith.constant 2 : i32
    %mul3A_3 = arith.muli %add3A, %mul3A_2 : i32
    %add3A_4 = arith.constant 0 : i32
    %add3A_5 = arith.addi %mul3A_3, %add3A_4 : i32
    "tpu.region"() ({
      %run_scoped3A = tpu.sem_alloc : memref<!tpu.dma_semaphore, #tpu.memory_space<semaphore_mem>>
      %dma_start3A_58 = arith.constant 0 : i32
      %dma_start3A_59 = tpu.memref_slice %arg3[%add3A_5, %dma_start3A_58] : memref<64x128xi32, #tpu.memory_space<hbm>> -> memref<1x128xi32, #tpu.memory_space<hbm>>
      %dma_start3A_60 = tpu.memref_squeeze %dma_start3A_59 : memref<1x128xi32, #tpu.memory_space<hbm>> -> memref<128xi32, #tpu.memory_space<hbm>>
      %dma_start3A_61 = arith.constant 0 : i32
      %dma_start3A_62 = tpu.memref_slice %arg3[%add3A_5, %dma_start3A_61] : memref<64x128xi32, #tpu.memory_space<hbm>> -> memref<1x128xi32, #tpu.memory_space<hbm>>
      %dma_start3A_63 = tpu.memref_squeeze %dma_start3A_62 : memref<1x128xi32, #tpu.memory_space<hbm>> -> memref<128xi32, #tpu.memory_space<hbm>>
      tpu.enqueue_dma source(%dma_start3A_63 : memref<128xi32, #tpu.memory_space<hbm>>) target(%arg7 : memref<128xi32, #tpu.memory_space<vmem>>) target_semaphore(%run_scoped3A : memref<!tpu.dma_semaphore, #tpu.memory_space<semaphore_mem>>)
      %dma_wait3A_64 = arith.constant 0 : i32
      %dma_wait3A_65 = tpu.memref_slice %arg3[%add3A_5, %dma_wait3A_64] : memref<64x128xi32, #tpu.memory_space<hbm>> -> memref<1x128xi32, #tpu.memory_space<hbm>>
      %dma_wait3A_66 = tpu.memref_squeeze %dma_wait3A_65 : memref<1x128xi32, #tpu.memory_space<hbm>> -> memref<128xi32, #tpu.memory_space<hbm>>
      %dma_wait3A_67 = arith.constant 0 : i32
      %dma_wait3A_68 = tpu.memref_slice %arg3[%add3A_5, %dma_wait3A_67] : memref<64x128xi32, #tpu.memory_space<hbm>> -> memref<1x128xi32, #tpu.memory_space<hbm>>
      %dma_wait3A_69 = tpu.memref_squeeze %dma_wait3A_68 : memref<1x128xi32, #tpu.memory_space<hbm>> -> memref<128xi32, #tpu.memory_space<hbm>>
      tpu.wait_dma2 semaphore(%run_scoped3A : memref<!tpu.dma_semaphore, #tpu.memory_space<semaphore_mem>>) src(%dma_wait3A_69 : memref<128xi32, #tpu.memory_space<hbm>>) dst(%arg7 : memref<128xi32, #tpu.memory_space<vmem>>)
      tpu.yield
    }) : () -> ()
    %dma_start3A = arith.constant 0 : i32
    %dma_start3A_6 = arith.constant 0 : i32
    %dma_start3A_7 = tpu.memref_slice %arg2[%dma_start3A, %dma_start3A_6] : memref<8192x128xf32, #tpu.memory_space<hbm>> -> memref<8192x128xf32, #tpu.memory_space<hbm>>
    tpu.enqueue_indirect_dma source(%dma_start3A_7 : memref<8192x128xf32, #tpu.memory_space<hbm>>) target(%arg8 : memref<128x128xf32, #tpu.memory_space<vmem>>) offsets(%arg7 : memref<128xi32, #tpu.memory_space<vmem>>) semaphore(%arg12 : memref<!tpu.dma_semaphore, #tpu.memory_space<semaphore_mem>>)
    %mul3A_8 = arith.constant 128 : i32
    %mul3A_9 = arith.muli %add3A_5, %mul3A_8 : i32
    %dma_start3A_10 = arith.constant 0 : i32
    %dma_start3A_11 = tpu.memref_slice %arg4[%mul3A_9, %dma_start3A_10] : memref<8192x32xf32, #tpu.memory_space<hbm>> -> memref<128x32xf32, #tpu.memory_space<hbm>>
    %dma_start3A_12 = arith.constant 0 : i32
    %dma_start3A_13 = tpu.memref_slice %arg4[%mul3A_9, %dma_start3A_12] : memref<8192x32xf32, #tpu.memory_space<hbm>> -> memref<128x32xf32, #tpu.memory_space<hbm>>
    tpu.enqueue_dma source(%dma_start3A_13 : memref<128x32xf32, #tpu.memory_space<hbm>>) target(%arg9 : memref<128x32xf32, #tpu.memory_space<vmem>>) target_semaphore(%arg13 : memref<!tpu.dma_semaphore, #tpu.memory_space<semaphore_mem>>)
    %dma_wait3A = arith.constant 0 : i32
    %dma_wait3A_14 = arith.constant 0 : i32
    %dma_wait3A_15 = tpu.memref_slice %arg2[%dma_wait3A, %dma_wait3A_14] : memref<8192x128xf32, #tpu.memory_space<hbm>> -> memref<8192x128xf32, #tpu.memory_space<hbm>>
    tpu.wait_indirect_dma semaphore(%arg12 : memref<!tpu.dma_semaphore, #tpu.memory_space<semaphore_mem>>) src(%dma_wait3A_15 : memref<8192x128xf32, #tpu.memory_space<hbm>>) dst(%arg8 : memref<128x128xf32, #tpu.memory_space<vmem>>)
    %dma_wait3A_16 = arith.constant 0 : i32
    %dma_wait3A_17 = tpu.memref_slice %arg4[%mul3A_9, %dma_wait3A_16] : memref<8192x32xf32, #tpu.memory_space<hbm>> -> memref<128x32xf32, #tpu.memory_space<hbm>>
    %dma_wait3A_18 = arith.constant 0 : i32
    %dma_wait3A_19 = tpu.memref_slice %arg4[%mul3A_9, %dma_wait3A_18] : memref<8192x32xf32, #tpu.memory_space<hbm>> -> memref<128x32xf32, #tpu.memory_space<hbm>>
    tpu.wait_dma2 semaphore(%arg13 : memref<!tpu.dma_semaphore, #tpu.memory_space<semaphore_mem>>) src(%dma_wait3A_19 : memref<128x32xf32, #tpu.memory_space<hbm>>) dst(%arg9 : memref<128x32xf32, #tpu.memory_space<vmem>>)
    %scan3A = arith.constant 0 : i32
    %scan3A_20 = arith.constant 128 : i32
    %scan3A_21 = arith.addi %scan3A, %scan3A_20 : i32
    %scan3A_22 = arith.constant 1 : i32
    %scan3A_23 = scf.for %scan3A_58 = %scan3A to %scan3A_21 step %scan3A_22 iter_args(%scan3A_59 = %broadcast_in_dim3A_1) -> (vector<16xf32>)  : i32 {
      %get3A = arith.index_cast %scan3A_58 : i32 to index
      %get3A_60 = arith.constant 0 : index
      %get3A_61 = tpu.vector_load %arg9[%get3A, %get3A_60] {strides = array<i32>} : memref<128x32xf32, #tpu.memory_space<vmem>>, vector<1x16xf32>,
      %get3A_62 = vector.shape_cast %get3A_61 : vector<1x16xf32> to vector<16xf32>
      %get3A_63 = arith.index_cast %scan3A_58 : i32 to index
      %get3A_64 = arith.constant 16 : index
      %get3A_65 = tpu.vector_load %arg9[%get3A_63, %get3A_64] {strides = array<i32>} : memref<128x32xf32, #tpu.memory_space<vmem>>, vector<1x16xf32>,
      %get3A_66 = vector.shape_cast %get3A_65 : vector<1x16xf32> to vector<16xf32>
      %get3A_67 = arith.index_cast %scan3A_58 : i32 to index
      %get3A_68 = arith.constant 0 : index
      %get3A_69 = tpu.vector_load %arg8[%get3A_67, %get3A_68] {strides = array<i32>} : memref<128x128xf32, #tpu.memory_space<vmem>>, vector<1x16xf32>,
      %get3A_70 = vector.shape_cast %get3A_69 : vector<1x16xf32> to vector<16xf32>
      %get3A_71 = arith.index_cast %scan3A_58 : i32 to index
      %get3A_72 = arith.constant 16 : index
      %get3A_73 = tpu.vector_load %arg8[%get3A_71, %get3A_72] {strides = array<i32>} : memref<128x128xf32, #tpu.memory_space<vmem>>, vector<1x16xf32>,
      %get3A_74 = vector.shape_cast %get3A_73 : vector<1x16xf32> to vector<16xf32>
      %sub3A = arith.subf %get3A_70, %get3A_62 : vector<16xf32>
      %add3A_75 = arith.addf %get3A_62, %sub3A : vector<16xf32>
      %swap3A_76 = arith.index_cast %scan3A_58 : i32 to index
      %swap3A_77 = arith.constant 0 : index
      %swap3A_78 = tpu.vector_load %arg10[%swap3A_76, %swap3A_77] {strides = array<i32>} : memref<128x32xf32, #tpu.memory_space<vmem>>, vector<1x16xf32>,
      %swap3A_79 = vector.shape_cast %swap3A_78 : vector<1x16xf32> to vector<16xf32>
      %swap3A_80 = vector.shape_cast %add3A_75 : vector<16xf32> to vector<1x16xf32>
      tpu.vector_store %arg10[%swap3A_76, %swap3A_77], %swap3A_80 {strides = array<i32>} : memref<128x32xf32, #tpu.memory_space<vmem>>, vector<1x16xf32>,
      %sub3A_81 = arith.subf %get3A_74, %get3A_66 : vector<16xf32>
      %add3A_82 = arith.addf %get3A_66, %sub3A_81 : vector<16xf32>
      %swap3A_83 = arith.index_cast %scan3A_58 : i32 to index
      %swap3A_84 = arith.constant 16 : index
      %swap3A_85 = tpu.vector_load %arg10[%swap3A_83, %swap3A_84] {strides = array<i32>} : memref<128x32xf32, #tpu.memory_space<vmem>>, vector<1x16xf32>,
      %swap3A_86 = vector.shape_cast %swap3A_85 : vector<1x16xf32> to vector<16xf32>
      %swap3A_87 = vector.shape_cast %add3A_82 : vector<16xf32> to vector<1x16xf32>
      tpu.vector_store %arg10[%swap3A_83, %swap3A_84], %swap3A_87 {strides = array<i32>} : memref<128x32xf32, #tpu.memory_space<vmem>>, vector<1x16xf32>,
      %sub3A_88 = arith.subf %get3A_62, %get3A_70 : vector<16xf32>
      %sub3A_89 = arith.subf %get3A_66, %get3A_74 : vector<16xf32>
      %mul3A_90 = arith.mulf %sub3A_88, %sub3A_88 : vector<16xf32>
      %add3A_91 = arith.addf %scan3A_59, %mul3A_90 : vector<16xf32>
      %mul3A_92 = arith.mulf %sub3A_89, %sub3A_89 : vector<16xf32>
      %add3A_93 = arith.addf %add3A_91, %mul3A_92 : vector<16xf32>
      scf.yield %add3A_93 : vector<16xf32>
    }
    %scan3A_24 = arith.constant 128 : i32
    %mul3A_25 = arith.constant 128 : i32
    %mul3A_26 = arith.muli %add3A_5, %mul3A_25 : i32
    "tpu.region"() ({
      %run_scoped3A = tpu.sem_alloc : memref<!tpu.dma_semaphore, #tpu.memory_space<semaphore_mem>>
      %dma_start3A_58 = arith.constant 0 : i32
      %dma_start3A_59 = tpu.memref_slice %arg5[%mul3A_26, %dma_start3A_58] : memref<8192x32xf32, #tpu.memory_space<hbm>> -> memref<128x32xf32, #tpu.memory_space<hbm>>
      %dma_start3A_60 = arith.constant 0 : i32
      %dma_start3A_61 = tpu.memref_slice %arg5[%mul3A_26, %dma_start3A_60] : memref<8192x32xf32, #tpu.memory_space<hbm>> -> memref<128x32xf32, #tpu.memory_space<hbm>>
      tpu.enqueue_dma source(%arg10 : memref<128x32xf32, #tpu.memory_space<vmem>>) target(%dma_start3A_61 : memref<128x32xf32, #tpu.memory_space<hbm>>) target_semaphore(%run_scoped3A : memref<!tpu.dma_semaphore, #tpu.memory_space<semaphore_mem>>)
      %dma_wait3A_62 = arith.constant 0 : i32
      %dma_wait3A_63 = tpu.memref_slice %arg5[%mul3A_26, %dma_wait3A_62] : memref<8192x32xf32, #tpu.memory_space<hbm>> -> memref<128x32xf32, #tpu.memory_space<hbm>>
      %dma_wait3A_64 = arith.constant 0 : i32
      %dma_wait3A_65 = tpu.memref_slice %arg5[%mul3A_26, %dma_wait3A_64] : memref<8192x32xf32, #tpu.memory_space<hbm>> -> memref<128x32xf32, #tpu.memory_space<hbm>>
      tpu.wait_dma2 semaphore(%run_scoped3A : memref<!tpu.dma_semaphore, #tpu.memory_space<semaphore_mem>>) src(%arg10 : memref<128x32xf32, #tpu.memory_space<vmem>>) dst(%dma_wait3A_65 : memref<128x32xf32, #tpu.memory_space<hbm>>)
      tpu.yield
    }) : () -> ()
    %mul3A_27 = arith.constant 2 : i32
    %mul3A_28 = arith.muli %add3A, %mul3A_27 : i32
    %add3A_29 = arith.constant 1 : i32
    %add3A_30 = arith.addi %mul3A_28, %add3A_29 : i32
    "tpu.region"() ({
      %run_scoped3A = tpu.sem_alloc : memref<!tpu.dma_semaphore, #tpu.memory_space<semaphore_mem>>
      %dma_start3A_58 = arith.constant 0 : i32
      %dma_start3A_59 = tpu.memref_slice %arg3[%add3A_30, %dma_start3A_58] : memref<64x128xi32, #tpu.memory_space<hbm>> -> memref<1x128xi32, #tpu.memory_space<hbm>>
      %dma_start3A_60 = tpu.memref_squeeze %dma_start3A_59 : memref<1x128xi32, #tpu.memory_space<hbm>> -> memref<128xi32, #tpu.memory_space<hbm>>
      %dma_start3A_61 = arith.constant 0 : i32
      %dma_start3A_62 = tpu.memref_slice %arg3[%add3A_30, %dma_start3A_61] : memref<64x128xi32, #tpu.memory_space<hbm>> -> memref<1x128xi32, #tpu.memory_space<hbm>>
      %dma_start3A_63 = tpu.memref_squeeze %dma_start3A_62 : memref<1x128xi32, #tpu.memory_space<hbm>> -> memref<128xi32, #tpu.memory_space<hbm>>
      tpu.enqueue_dma source(%dma_start3A_63 : memref<128xi32, #tpu.memory_space<hbm>>) target(%arg7 : memref<128xi32, #tpu.memory_space<vmem>>) target_semaphore(%run_scoped3A : memref<!tpu.dma_semaphore, #tpu.memory_space<semaphore_mem>>)
      %dma_wait3A_64 = arith.constant 0 : i32
      %dma_wait3A_65 = tpu.memref_slice %arg3[%add3A_30, %dma_wait3A_64] : memref<64x128xi32, #tpu.memory_space<hbm>> -> memref<1x128xi32, #tpu.memory_space<hbm>>
      %dma_wait3A_66 = tpu.memref_squeeze %dma_wait3A_65 : memref<1x128xi32, #tpu.memory_space<hbm>> -> memref<128xi32, #tpu.memory_space<hbm>>
      %dma_wait3A_67 = arith.constant 0 : i32
      %dma_wait3A_68 = tpu.memref_slice %arg3[%add3A_30, %dma_wait3A_67] : memref<64x128xi32, #tpu.memory_space<hbm>> -> memref<1x128xi32, #tpu.memory_space<hbm>>
      %dma_wait3A_69 = tpu.memref_squeeze %dma_wait3A_68 : memref<1x128xi32, #tpu.memory_space<hbm>> -> memref<128xi32, #tpu.memory_space<hbm>>
      tpu.wait_dma2 semaphore(%run_scoped3A : memref<!tpu.dma_semaphore, #tpu.memory_space<semaphore_mem>>) src(%dma_wait3A_69 : memref<128xi32, #tpu.memory_space<hbm>>) dst(%arg7 : memref<128xi32, #tpu.memory_space<vmem>>)
      tpu.yield
    }) : () -> ()
    %dma_start3A_31 = arith.constant 0 : i32
    %dma_start3A_32 = arith.constant 0 : i32
    %dma_start3A_33 = tpu.memref_slice %arg2[%dma_start3A_31, %dma_start3A_32] : memref<8192x128xf32, #tpu.memory_space<hbm>> -> memref<8192x128xf32, #tpu.memory_space<hbm>>
    tpu.enqueue_indirect_dma source(%dma_start3A_33 : memref<8192x128xf32, #tpu.memory_space<hbm>>) target(%arg8 : memref<128x128xf32, #tpu.memory_space<vmem>>) offsets(%arg7 : memref<128xi32, #tpu.memory_space<vmem>>) semaphore(%arg12 : memref<!tpu.dma_semaphore, #tpu.memory_space<semaphore_mem>>)
    %mul3A_34 = arith.constant 128 : i32
    %mul3A_35 = arith.muli %add3A_30, %mul3A_34 : i32
    %dma_start3A_36 = arith.constant 0 : i32
    %dma_start3A_37 = tpu.memref_slice %arg4[%mul3A_35, %dma_start3A_36] : memref<8192x32xf32, #tpu.memory_space<hbm>> -> memref<128x32xf32, #tpu.memory_space<hbm>>
    %dma_start3A_38 = arith.constant 0 : i32
    %dma_start3A_39 = tpu.memref_slice %arg4[%mul3A_35, %dma_start3A_38] : memref<8192x32xf32, #tpu.memory_space<hbm>> -> memref<128x32xf32, #tpu.memory_space<hbm>>
    tpu.enqueue_dma source(%dma_start3A_39 : memref<128x32xf32, #tpu.memory_space<hbm>>) target(%arg9 : memref<128x32xf32, #tpu.memory_space<vmem>>) target_semaphore(%arg13 : memref<!tpu.dma_semaphore, #tpu.memory_space<semaphore_mem>>)
    %dma_wait3A_40 = arith.constant 0 : i32
    %dma_wait3A_41 = arith.constant 0 : i32
    %dma_wait3A_42 = tpu.memref_slice %arg2[%dma_wait3A_40, %dma_wait3A_41] : memref<8192x128xf32, #tpu.memory_space<hbm>> -> memref<8192x128xf32, #tpu.memory_space<hbm>>
    tpu.wait_indirect_dma semaphore(%arg12 : memref<!tpu.dma_semaphore, #tpu.memory_space<semaphore_mem>>) src(%dma_wait3A_42 : memref<8192x128xf32, #tpu.memory_space<hbm>>) dst(%arg8 : memref<128x128xf32, #tpu.memory_space<vmem>>)
    %dma_wait3A_43 = arith.constant 0 : i32
    %dma_wait3A_44 = tpu.memref_slice %arg4[%mul3A_35, %dma_wait3A_43] : memref<8192x32xf32, #tpu.memory_space<hbm>> -> memref<128x32xf32, #tpu.memory_space<hbm>>
    %dma_wait3A_45 = arith.constant 0 : i32
    %dma_wait3A_46 = tpu.memref_slice %arg4[%mul3A_35, %dma_wait3A_45] : memref<8192x32xf32, #tpu.memory_space<hbm>> -> memref<128x32xf32, #tpu.memory_space<hbm>>
    tpu.wait_dma2 semaphore(%arg13 : memref<!tpu.dma_semaphore, #tpu.memory_space<semaphore_mem>>) src(%dma_wait3A_46 : memref<128x32xf32, #tpu.memory_space<hbm>>) dst(%arg9 : memref<128x32xf32, #tpu.memory_space<vmem>>)
    %scan3A_47 = arith.constant 0 : i32
    %scan3A_48 = arith.constant 128 : i32
    %scan3A_49 = arith.addi %scan3A_47, %scan3A_48 : i32
    %scan3A_50 = arith.constant 1 : i32
    %scan3A_51 = scf.for %scan3A_58 = %scan3A_47 to %scan3A_49 step %scan3A_50 iter_args(%scan3A_59 = %scan3A_23) -> (vector<16xf32>)  : i32 {
      %get3A = arith.index_cast %scan3A_58 : i32 to index
      %get3A_60 = arith.constant 0 : index
      %get3A_61 = tpu.vector_load %arg9[%get3A, %get3A_60] {strides = array<i32>} : memref<128x32xf32, #tpu.memory_space<vmem>>, vector<1x16xf32>,
      %get3A_62 = vector.shape_cast %get3A_61 : vector<1x16xf32> to vector<16xf32>
      %get3A_63 = arith.index_cast %scan3A_58 : i32 to index
      %get3A_64 = arith.constant 16 : index
      %get3A_65 = tpu.vector_load %arg9[%get3A_63, %get3A_64] {strides = array<i32>} : memref<128x32xf32, #tpu.memory_space<vmem>>, vector<1x16xf32>,
      %get3A_66 = vector.shape_cast %get3A_65 : vector<1x16xf32> to vector<16xf32>
      %get3A_67 = arith.index_cast %scan3A_58 : i32 to index
      %get3A_68 = arith.constant 0 : index
      %get3A_69 = tpu.vector_load %arg8[%get3A_67, %get3A_68] {strides = array<i32>} : memref<128x128xf32, #tpu.memory_space<vmem>>, vector<1x16xf32>,
      %get3A_70 = vector.shape_cast %get3A_69 : vector<1x16xf32> to vector<16xf32>
      %get3A_71 = arith.index_cast %scan3A_58 : i32 to index
      %get3A_72 = arith.constant 16 : index
      %get3A_73 = tpu.vector_load %arg8[%get3A_71, %get3A_72] {strides = array<i32>} : memref<128x128xf32, #tpu.memory_space<vmem>>, vector<1x16xf32>,
      %get3A_74 = vector.shape_cast %get3A_73 : vector<1x16xf32> to vector<16xf32>
      %sub3A = arith.subf %get3A_70, %get3A_62 : vector<16xf32>
      %add3A_75 = arith.addf %get3A_62, %sub3A : vector<16xf32>
      %swap3A_76 = arith.index_cast %scan3A_58 : i32 to index
      %swap3A_77 = arith.constant 0 : index
      %swap3A_78 = tpu.vector_load %arg10[%swap3A_76, %swap3A_77] {strides = array<i32>} : memref<128x32xf32, #tpu.memory_space<vmem>>, vector<1x16xf32>,
      %swap3A_79 = vector.shape_cast %swap3A_78 : vector<1x16xf32> to vector<16xf32>
      %swap3A_80 = vector.shape_cast %add3A_75 : vector<16xf32> to vector<1x16xf32>
      tpu.vector_store %arg10[%swap3A_76, %swap3A_77], %swap3A_80 {strides = array<i32>} : memref<128x32xf32, #tpu.memory_space<vmem>>, vector<1x16xf32>,
      %sub3A_81 = arith.subf %get3A_74, %get3A_66 : vector<16xf32>
      %add3A_82 = arith.addf %get3A_66, %sub3A_81 : vector<16xf32>
      %swap3A_83 = arith.index_cast %scan3A_58 : i32 to index
      %swap3A_84 = arith.constant 16 : index
      %swap3A_85 = tpu.vector_load %arg10[%swap3A_83, %swap3A_84] {strides = array<i32>} : memref<128x32xf32, #tpu.memory_space<vmem>>, vector<1x16xf32>,
      %swap3A_86 = vector.shape_cast %swap3A_85 : vector<1x16xf32> to vector<16xf32>
      %swap3A_87 = vector.shape_cast %add3A_82 : vector<16xf32> to vector<1x16xf32>
      tpu.vector_store %arg10[%swap3A_83, %swap3A_84], %swap3A_87 {strides = array<i32>} : memref<128x32xf32, #tpu.memory_space<vmem>>, vector<1x16xf32>,
      %sub3A_88 = arith.subf %get3A_62, %get3A_70 : vector<16xf32>
      %sub3A_89 = arith.subf %get3A_66, %get3A_74 : vector<16xf32>
      %mul3A_90 = arith.mulf %sub3A_88, %sub3A_88 : vector<16xf32>
      %add3A_91 = arith.addf %scan3A_59, %mul3A_90 : vector<16xf32>
      %mul3A_92 = arith.mulf %sub3A_89, %sub3A_89 : vector<16xf32>
      %add3A_93 = arith.addf %add3A_91, %mul3A_92 : vector<16xf32>
      scf.yield %add3A_93 : vector<16xf32>
    }
    %scan3A_52 = arith.constant 128 : i32
    %mul3A_53 = arith.constant 128 : i32
    %mul3A_54 = arith.muli %add3A_30, %mul3A_53 : i32
    "tpu.region"() ({
      %run_scoped3A = tpu.sem_alloc : memref<!tpu.dma_semaphore, #tpu.memory_space<semaphore_mem>>
      %dma_start3A_58 = arith.constant 0 : i32
      %dma_start3A_59 = tpu.memref_slice %arg5[%mul3A_54, %dma_start3A_58] : memref<8192x32xf32, #tpu.memory_space<hbm>> -> memref<128x32xf32, #tpu.memory_space<hbm>>
      %dma_start3A_60 = arith.constant 0 : i32
      %dma_start3A_61 = tpu.memref_slice %arg5[%mul3A_54, %dma_start3A_60] : memref<8192x32xf32, #tpu.memory_space<hbm>> -> memref<128x32xf32, #tpu.memory_space<hbm>>
      tpu.enqueue_dma source(%arg10 : memref<128x32xf32, #tpu.memory_space<vmem>>) target(%dma_start3A_61 : memref<128x32xf32, #tpu.memory_space<hbm>>) target_semaphore(%run_scoped3A : memref<!tpu.dma_semaphore, #tpu.memory_space<semaphore_mem>>)
      %dma_wait3A_62 = arith.constant 0 : i32
      %dma_wait3A_63 = tpu.memref_slice %arg5[%mul3A_54, %dma_wait3A_62] : memref<8192x32xf32, #tpu.memory_space<hbm>> -> memref<128x32xf32, #tpu.memory_space<hbm>>
      %dma_wait3A_64 = arith.constant 0 : i32
      %dma_wait3A_65 = tpu.memref_slice %arg5[%mul3A_54, %dma_wait3A_64] : memref<8192x32xf32, #tpu.memory_space<hbm>> -> memref<128x32xf32, #tpu.memory_space<hbm>>
      tpu.wait_dma2 semaphore(%run_scoped3A : memref<!tpu.dma_semaphore, #tpu.memory_space<semaphore_mem>>) src(%arg10 : memref<128x32xf32, #tpu.memory_space<vmem>>) dst(%dma_wait3A_65 : memref<128x32xf32, #tpu.memory_space<hbm>>)
      tpu.yield
    }) : () -> ()
    %swap3A = arith.constant 0 : index
    %swap3A_55 = tpu.vector_load %arg11[%swap3A] {strides = array<i32>} : memref<16xf32, #tpu.memory_space<vmem>>, vector<16xf32>,
    %swap3A_56 = vector.shape_cast %swap3A_55 : vector<16xf32> to vector<16xf32>
    %swap3A_57 = vector.shape_cast %scan3A_51 : vector<16xf32> to vector<16xf32>
    tpu.vector_store %arg11[%swap3A], %swap3A_57 {strides = array<i32>} : memref<16xf32, #tpu.memory_space<vmem>>, vector<16xf32>,
    "tpu.region"() ({
      %run_scoped3A = tpu.sem_alloc : memref<!tpu.dma_semaphore, #tpu.memory_space<semaphore_mem>>
      %dma_start3A_58 = arith.constant 0 : i32
      %dma_start3A_59 = tpu.memref_slice %arg6[%add3A, %dma_start3A_58] : memref<32x16xf32, #tpu.memory_space<hbm>> -> memref<1x16xf32, #tpu.memory_space<hbm>>
      %dma_start3A_60 = tpu.memref_squeeze %dma_start3A_59 : memref<1x16xf32, #tpu.memory_space<hbm>> -> memref<16xf32, #tpu.memory_space<hbm>>
      %dma_start3A_61 = arith.constant 0 : i32
      %dma_start3A_62 = tpu.memref_slice %arg6[%add3A, %dma_start3A_61] : memref<32x16xf32, #tpu.memory_space<hbm>> -> memref<1x16xf32, #tpu.memory_space<hbm>>
      %dma_start3A_63 = tpu.memref_squeeze %dma_start3A_62 : memref<1x16xf32, #tpu.memory_space<hbm>> -> memref<16xf32, #tpu.memory_space<hbm>>
      tpu.enqueue_dma source(%arg11 : memref<16xf32, #tpu.memory_space<vmem>>) target(%dma_start3A_63 : memref<16xf32, #tpu.memory_space<hbm>>) target_semaphore(%run_scoped3A : memref<!tpu.dma_semaphore, #tpu.memory_space<semaphore_mem>>)
      %dma_wait3A_64 = arith.constant 0 : i32
      %dma_wait3A_65 = tpu.memref_slice %arg6[%add3A, %dma_wait3A_64] : memref<32x16xf32, #tpu.memory_space<hbm>> -> memref<1x16xf32, #tpu.memory_space<hbm>>
      %dma_wait3A_66 = tpu.memref_squeeze %dma_wait3A_65 : memref<1x16xf32, #tpu.memory_space<hbm>> -> memref<16xf32, #tpu.memory_space<hbm>>
      %dma_wait3A_67 = arith.constant 0 : i32
      %dma_wait3A_68 = tpu.memref_slice %arg6[%add3A, %dma_wait3A_67] : memref<32x16xf32, #tpu.memory_space<hbm>> -> memref<1x16xf32, #tpu.memory_space<hbm>>
      %dma_wait3A_69 = tpu.memref_squeeze %dma_wait3A_68 : memref<1x16xf32, #tpu.memory_space<hbm>> -> memref<16xf32, #tpu.memory_space<hbm>>
      tpu.wait_dma2 semaphore(%run_scoped3A : memref<!tpu.dma_semaphore, #tpu.memory_space<semaphore_mem>>) src(%arg11 : memref<16xf32, #tpu.memory_space<vmem>>) dst(%dma_wait3A_69 : memref<16xf32, #tpu.memory_space<hbm>>)
      tpu.yield
    }) : () -> ()
    return
  }
}

module attributes {stable_mosaic.version = 14 : i64} {
  func.func @_front_body(%arg0: i32, %arg1: memref<17x128x64xf32, #tpu.memory_space<vmem>>, %arg2: memref<16x128x32xf32, #tpu.memory_space<vmem>>, %arg3: memref<64x64xf32, #tpu.memory_space<vmem>>, %arg4: memref<64xf32, #tpu.memory_space<vmem>>, %arg5: memref<64x32xf32, #tpu.memory_space<vmem>>, %arg6: memref<32xf32, #tpu.memory_space<vmem>>, %arg7: memref<64x32xf32, #tpu.memory_space<vmem>>, %arg8: memref<32xf32, #tpu.memory_space<vmem>>, %arg9: memref<2048x32xf32, #tpu.memory_space<vmem>>) attributes {dimension_semantics = [#tpu.dimension_semantics<arbitrary>], iteration_bounds = array<i64: 4>, scalar_prefetch = 0 : i64, scratch_operands = 0 : i64, tpu.core_type = #tpu.core_type<tc>, window_params = [{transform_indices = @transform_0, window_bounds = array<i64: 17, 128, 64>}, {transform_indices = @transform_1, window_bounds = array<i64: 16, 128, 32>}, {pipeline_mode = #tpu.pipeline_mode<synchronous>, transform_indices = @transform_2, window_bounds = array<i64: 64, 64>}, {pipeline_mode = #tpu.pipeline_mode<synchronous>, transform_indices = @transform_3, window_bounds = array<i64: 64>}, {pipeline_mode = #tpu.pipeline_mode<synchronous>, transform_indices = @transform_4, window_bounds = array<i64: 64, 32>}, {pipeline_mode = #tpu.pipeline_mode<synchronous>, transform_indices = @transform_5, window_bounds = array<i64: 32>}, {pipeline_mode = #tpu.pipeline_mode<synchronous>, transform_indices = @transform_6, window_bounds = array<i64: 64, 32>}, {pipeline_mode = #tpu.pipeline_mode<synchronous>, transform_indices = @transform_7, window_bounds = array<i64: 32>}, {transform_indices = @transform_8, window_bounds = array<i64: 2048, 32>}]} {
    %get3A = arith.constant 0 : index
    %get3A_0 = arith.constant 0 : index
    %get3A_1 = arith.constant 0 : index
    %get3A_2 = vector.load %arg1[%get3A, %get3A_0, %get3A_1] : memref<17x128x64xf32, #tpu.memory_space<vmem>>, vector<1x128x64xf32>
    %get3A_3 = vector.shape_cast %get3A_2 : vector<1x128x64xf32> to vector<128x64xf32>
    %get3A_4 = arith.constant 1 : index
    %get3A_5 = arith.constant 0 : index
    %get3A_6 = arith.constant 0 : index
    %get3A_7 = vector.load %arg1[%get3A_4, %get3A_5, %get3A_6] : memref<17x128x64xf32, #tpu.memory_space<vmem>>, vector<1x128x64xf32>
    %get3A_8 = vector.shape_cast %get3A_7 : vector<1x128x64xf32> to vector<128x64xf32>
    %get3A_9 = arith.constant 2 : index
    %get3A_10 = arith.constant 0 : index
    %get3A_11 = arith.constant 0 : index
    %get3A_12 = vector.load %arg1[%get3A_9, %get3A_10, %get3A_11] : memref<17x128x64xf32, #tpu.memory_space<vmem>>, vector<1x128x64xf32>
    %get3A_13 = vector.shape_cast %get3A_12 : vector<1x128x64xf32> to vector<128x64xf32>
    %get3A_14 = arith.constant 3 : index
    %get3A_15 = arith.constant 0 : index
    %get3A_16 = arith.constant 0 : index
    %get3A_17 = vector.load %arg1[%get3A_14, %get3A_15, %get3A_16] : memref<17x128x64xf32, #tpu.memory_space<vmem>>, vector<1x128x64xf32>
    %get3A_18 = vector.shape_cast %get3A_17 : vector<1x128x64xf32> to vector<128x64xf32>
    %get3A_19 = arith.constant 4 : index
    %get3A_20 = arith.constant 0 : index
    %get3A_21 = arith.constant 0 : index
    %get3A_22 = vector.load %arg1[%get3A_19, %get3A_20, %get3A_21] : memref<17x128x64xf32, #tpu.memory_space<vmem>>, vector<1x128x64xf32>
    %get3A_23 = vector.shape_cast %get3A_22 : vector<1x128x64xf32> to vector<128x64xf32>
    %get3A_24 = arith.constant 5 : index
    %get3A_25 = arith.constant 0 : index
    %get3A_26 = arith.constant 0 : index
    %get3A_27 = vector.load %arg1[%get3A_24, %get3A_25, %get3A_26] : memref<17x128x64xf32, #tpu.memory_space<vmem>>, vector<1x128x64xf32>
    %get3A_28 = vector.shape_cast %get3A_27 : vector<1x128x64xf32> to vector<128x64xf32>
    %get3A_29 = arith.constant 6 : index
    %get3A_30 = arith.constant 0 : index
    %get3A_31 = arith.constant 0 : index
    %get3A_32 = vector.load %arg1[%get3A_29, %get3A_30, %get3A_31] : memref<17x128x64xf32, #tpu.memory_space<vmem>>, vector<1x128x64xf32>
    %get3A_33 = vector.shape_cast %get3A_32 : vector<1x128x64xf32> to vector<128x64xf32>
    %get3A_34 = arith.constant 7 : index
    %get3A_35 = arith.constant 0 : index
    %get3A_36 = arith.constant 0 : index
    %get3A_37 = vector.load %arg1[%get3A_34, %get3A_35, %get3A_36] : memref<17x128x64xf32, #tpu.memory_space<vmem>>, vector<1x128x64xf32>
    %get3A_38 = vector.shape_cast %get3A_37 : vector<1x128x64xf32> to vector<128x64xf32>
    %get3A_39 = arith.constant 8 : index
    %get3A_40 = arith.constant 0 : index
    %get3A_41 = arith.constant 0 : index
    %get3A_42 = vector.load %arg1[%get3A_39, %get3A_40, %get3A_41] : memref<17x128x64xf32, #tpu.memory_space<vmem>>, vector<1x128x64xf32>
    %get3A_43 = vector.shape_cast %get3A_42 : vector<1x128x64xf32> to vector<128x64xf32>
    %get3A_44 = arith.constant 9 : index
    %get3A_45 = arith.constant 0 : index
    %get3A_46 = arith.constant 0 : index
    %get3A_47 = vector.load %arg1[%get3A_44, %get3A_45, %get3A_46] : memref<17x128x64xf32, #tpu.memory_space<vmem>>, vector<1x128x64xf32>
    %get3A_48 = vector.shape_cast %get3A_47 : vector<1x128x64xf32> to vector<128x64xf32>
    %get3A_49 = arith.constant 10 : index
    %get3A_50 = arith.constant 0 : index
    %get3A_51 = arith.constant 0 : index
    %get3A_52 = vector.load %arg1[%get3A_49, %get3A_50, %get3A_51] : memref<17x128x64xf32, #tpu.memory_space<vmem>>, vector<1x128x64xf32>
    %get3A_53 = vector.shape_cast %get3A_52 : vector<1x128x64xf32> to vector<128x64xf32>
    %get3A_54 = arith.constant 11 : index
    %get3A_55 = arith.constant 0 : index
    %get3A_56 = arith.constant 0 : index
    %get3A_57 = vector.load %arg1[%get3A_54, %get3A_55, %get3A_56] : memref<17x128x64xf32, #tpu.memory_space<vmem>>, vector<1x128x64xf32>
    %get3A_58 = vector.shape_cast %get3A_57 : vector<1x128x64xf32> to vector<128x64xf32>
    %get3A_59 = arith.constant 12 : index
    %get3A_60 = arith.constant 0 : index
    %get3A_61 = arith.constant 0 : index
    %get3A_62 = vector.load %arg1[%get3A_59, %get3A_60, %get3A_61] : memref<17x128x64xf32, #tpu.memory_space<vmem>>, vector<1x128x64xf32>
    %get3A_63 = vector.shape_cast %get3A_62 : vector<1x128x64xf32> to vector<128x64xf32>
    %get3A_64 = arith.constant 13 : index
    %get3A_65 = arith.constant 0 : index
    %get3A_66 = arith.constant 0 : index
    %get3A_67 = vector.load %arg1[%get3A_64, %get3A_65, %get3A_66] : memref<17x128x64xf32, #tpu.memory_space<vmem>>, vector<1x128x64xf32>
    %get3A_68 = vector.shape_cast %get3A_67 : vector<1x128x64xf32> to vector<128x64xf32>
    %get3A_69 = arith.constant 14 : index
    %get3A_70 = arith.constant 0 : index
    %get3A_71 = arith.constant 0 : index
    %get3A_72 = vector.load %arg1[%get3A_69, %get3A_70, %get3A_71] : memref<17x128x64xf32, #tpu.memory_space<vmem>>, vector<1x128x64xf32>
    %get3A_73 = vector.shape_cast %get3A_72 : vector<1x128x64xf32> to vector<128x64xf32>
    %get3A_74 = arith.constant 15 : index
    %get3A_75 = arith.constant 0 : index
    %get3A_76 = arith.constant 0 : index
    %get3A_77 = vector.load %arg1[%get3A_74, %get3A_75, %get3A_76] : memref<17x128x64xf32, #tpu.memory_space<vmem>>, vector<1x128x64xf32>
    %get3A_78 = vector.shape_cast %get3A_77 : vector<1x128x64xf32> to vector<128x64xf32>
    %get3A_79 = arith.constant 16 : index
    %get3A_80 = arith.constant 0 : index
    %get3A_81 = arith.constant 0 : index
    %get3A_82 = vector.load %arg1[%get3A_79, %get3A_80, %get3A_81] : memref<17x128x64xf32, #tpu.memory_space<vmem>>, vector<1x128x64xf32>
    %get3A_83 = vector.shape_cast %get3A_82 : vector<1x128x64xf32> to vector<128x64xf32>
    %concatenate3A = tpu.concatenate %get3A_3, %get3A_8, %get3A_13, %get3A_18, %get3A_23, %get3A_28, %get3A_33, %get3A_38, %get3A_43, %get3A_48, %get3A_53, %get3A_58, %get3A_63, %get3A_68, %get3A_73, %get3A_78, %get3A_83 in 0 : vector<128x64xf32>, vector<128x64xf32>, vector<128x64xf32>, vector<128x64xf32>, vector<128x64xf32>, vector<128x64xf32>, vector<128x64xf32>, vector<128x64xf32>, vector<128x64xf32>, vector<128x64xf32>, vector<128x64xf32>, vector<128x64xf32>, vector<128x64xf32>, vector<128x64xf32>, vector<128x64xf32>, vector<128x64xf32>, vector<128x64xf32> -> vector<2176x64xf32>
    %get3A_84 = arith.constant 0 : index
    %get3A_85 = arith.constant 0 : index
    %get3A_86 = vector.load %arg3[%get3A_84, %get3A_85] : memref<64x64xf32, #tpu.memory_space<vmem>>, vector<64x64xf32>
    %convert_element_type3A = arith.truncf %concatenate3A : vector<2176x64xf32> to vector<2176x64xbf16>
    %convert_element_type3A_87 = arith.truncf %get3A_86 : vector<64x64xf32> to vector<64x64xbf16>
    %dot_general3A = arith.constant dense<0.000000e+00> : vector<2176x64xf32>
    %dot_general3A_88 = tpu.matmul %convert_element_type3A, %convert_element_type3A_87, %dot_general3A {dimension_numbers = #tpu.dot_dimension_numbers<[1], [0], [0], [1], [0, 0, 1, 1], [], []>, transpose_lhs_hint = false} : vector<2176x64xbf16>, vector<64x64xbf16>, vector<2176x64xf32> -> vector<2176x64xf32>
    %get3A_89 = arith.constant 0 : index
    %get3A_90 = vector.load %arg4[%get3A_89] : memref<64xf32, #tpu.memory_space<vmem>>, vector<64xf32>
    %broadcast_in_dim3A = vector.shape_cast %get3A_90 : vector<64xf32> to vector<1x64xf32>
    %add3A = vector.broadcast %broadcast_in_dim3A : vector<1x64xf32> to vector<2176x64xf32>
    %add3A_91 = arith.addf %dot_general3A_88, %add3A : vector<2176x64xf32>
    %max3A = arith.constant 0.000000e+00 : f32
    %max3A_92 = vector.broadcast %max3A : f32 to vector<2176x64xf32>
    %max3A_93 = arith.maximumf %add3A_91, %max3A_92 : vector<2176x64xf32>
    %get3A_94 = arith.constant 0 : index
    %get3A_95 = arith.constant 0 : index
    %get3A_96 = vector.load %arg5[%get3A_94, %get3A_95] : memref<64x32xf32, #tpu.memory_space<vmem>>, vector<64x32xf32>
    %convert_element_type3A_97 = arith.truncf %max3A_93 : vector<2176x64xf32> to vector<2176x64xbf16>
    %convert_element_type3A_98 = arith.truncf %get3A_96 : vector<64x32xf32> to vector<64x32xbf16>
    %dot_general3A_99 = arith.constant dense<0.000000e+00> : vector<2176x32xf32>
    %dot_general3A_100 = tpu.matmul %convert_element_type3A_97, %convert_element_type3A_98, %dot_general3A_99 {dimension_numbers = #tpu.dot_dimension_numbers<[1], [0], [0], [1], [0, 0, 1, 1], [], []>, transpose_lhs_hint = false} : vector<2176x64xbf16>, vector<64x32xbf16>, vector<2176x32xf32> -> vector<2176x32xf32>
    %get3A_101 = arith.constant 0 : index
    %get3A_102 = vector.load %arg6[%get3A_101] : memref<32xf32, #tpu.memory_space<vmem>>, vector<32xf32>
    %broadcast_in_dim3A_103 = vector.shape_cast %get3A_102 : vector<32xf32> to vector<1x32xf32>
    %add3A_104 = vector.broadcast %broadcast_in_dim3A_103 : vector<1x32xf32> to vector<2176x32xf32>
    %add3A_105 = arith.addf %dot_general3A_100, %add3A_104 : vector<2176x32xf32>
    %get3A_106 = arith.constant 0 : index
    %get3A_107 = arith.constant 0 : index
    %get3A_108 = vector.load %arg7[%get3A_106, %get3A_107] : memref<64x32xf32, #tpu.memory_space<vmem>>, vector<64x32xf32>
    %convert_element_type3A_109 = arith.truncf %max3A_93 : vector<2176x64xf32> to vector<2176x64xbf16>
    %convert_element_type3A_110 = arith.truncf %get3A_108 : vector<64x32xf32> to vector<64x32xbf16>
    %dot_general3A_111 = arith.constant dense<0.000000e+00> : vector<2176x32xf32>
    %dot_general3A_112 = tpu.matmul %convert_element_type3A_109, %convert_element_type3A_110, %dot_general3A_111 {dimension_numbers = #tpu.dot_dimension_numbers<[1], [0], [0], [1], [0, 0, 1, 1], [], []>, transpose_lhs_hint = false} : vector<2176x64xbf16>, vector<64x32xbf16>, vector<2176x32xf32> -> vector<2176x32xf32>
    %get3A_113 = arith.constant 0 : index
    %get3A_114 = vector.load %arg8[%get3A_113] : memref<32xf32, #tpu.memory_space<vmem>>, vector<32xf32>
    %broadcast_in_dim3A_115 = vector.shape_cast %get3A_114 : vector<32xf32> to vector<1x32xf32>
    %add3A_116 = vector.broadcast %broadcast_in_dim3A_115 : vector<1x32xf32> to vector<2176x32xf32>
    %add3A_117 = arith.addf %dot_general3A_112, %add3A_116 : vector<2176x32xf32>
    %abs3A = math.absf %add3A_117 : vector<2176x32xf32>
    %slice3A = vector.extract_strided_slice %add3A_105 {offsets = [128, 0], sizes = [2048, 32], strides = [1, 1]} : vector<2176x32xf32> to vector<2048x32xf32>
    %slice3A_118 = vector.extract_strided_slice %add3A_105 {offsets = [0, 0], sizes = [2048, 32], strides = [1, 1]} : vector<2176x32xf32> to vector<2048x32xf32>
    %sub3A = arith.subf %slice3A, %slice3A_118 : vector<2048x32xf32>
    %slice3A_119 = vector.extract_strided_slice %abs3A {offsets = [128, 0], sizes = [2048, 32], strides = [1, 1]} : vector<2176x32xf32> to vector<2048x32xf32>
    %slice3A_120 = vector.extract_strided_slice %abs3A {offsets = [0, 0], sizes = [2048, 32], strides = [1, 1]} : vector<2176x32xf32> to vector<2048x32xf32>
    %add3A_121 = arith.addf %slice3A_119, %slice3A_120 : vector<2048x32xf32>
    %get3A_122 = arith.constant 0 : index
    %get3A_123 = arith.constant 0 : index
    %get3A_124 = arith.constant 0 : index
    %get3A_125 = vector.load %arg2[%get3A_122, %get3A_123, %get3A_124] : memref<16x128x32xf32, #tpu.memory_space<vmem>>, vector<1x128x32xf32>
    %get3A_126 = vector.shape_cast %get3A_125 : vector<1x128x32xf32> to vector<128x32xf32>
    %get3A_127 = arith.constant 1 : index
    %get3A_128 = arith.constant 0 : index
    %get3A_129 = arith.constant 0 : index
    %get3A_130 = vector.load %arg2[%get3A_127, %get3A_128, %get3A_129] : memref<16x128x32xf32, #tpu.memory_space<vmem>>, vector<1x128x32xf32>
    %get3A_131 = vector.shape_cast %get3A_130 : vector<1x128x32xf32> to vector<128x32xf32>
    %get3A_132 = arith.constant 2 : index
    %get3A_133 = arith.constant 0 : index
    %get3A_134 = arith.constant 0 : index
    %get3A_135 = vector.load %arg2[%get3A_132, %get3A_133, %get3A_134] : memref<16x128x32xf32, #tpu.memory_space<vmem>>, vector<1x128x32xf32>
    %get3A_136 = vector.shape_cast %get3A_135 : vector<1x128x32xf32> to vector<128x32xf32>
    %get3A_137 = arith.constant 3 : index
    %get3A_138 = arith.constant 0 : index
    %get3A_139 = arith.constant 0 : index
    %get3A_140 = vector.load %arg2[%get3A_137, %get3A_138, %get3A_139] : memref<16x128x32xf32, #tpu.memory_space<vmem>>, vector<1x128x32xf32>
    %get3A_141 = vector.shape_cast %get3A_140 : vector<1x128x32xf32> to vector<128x32xf32>
    %get3A_142 = arith.constant 4 : index
    %get3A_143 = arith.constant 0 : index
    %get3A_144 = arith.constant 0 : index
    %get3A_145 = vector.load %arg2[%get3A_142, %get3A_143, %get3A_144] : memref<16x128x32xf32, #tpu.memory_space<vmem>>, vector<1x128x32xf32>
    %get3A_146 = vector.shape_cast %get3A_145 : vector<1x128x32xf32> to vector<128x32xf32>
    %get3A_147 = arith.constant 5 : index
    %get3A_148 = arith.constant 0 : index
    %get3A_149 = arith.constant 0 : index
    %get3A_150 = vector.load %arg2[%get3A_147, %get3A_148, %get3A_149] : memref<16x128x32xf32, #tpu.memory_space<vmem>>, vector<1x128x32xf32>
    %get3A_151 = vector.shape_cast %get3A_150 : vector<1x128x32xf32> to vector<128x32xf32>
    %get3A_152 = arith.constant 6 : index
    %get3A_153 = arith.constant 0 : index
    %get3A_154 = arith.constant 0 : index
    %get3A_155 = vector.load %arg2[%get3A_152, %get3A_153, %get3A_154] : memref<16x128x32xf32, #tpu.memory_space<vmem>>, vector<1x128x32xf32>
    %get3A_156 = vector.shape_cast %get3A_155 : vector<1x128x32xf32> to vector<128x32xf32>
    %get3A_157 = arith.constant 7 : index
    %get3A_158 = arith.constant 0 : index
    %get3A_159 = arith.constant 0 : index
    %get3A_160 = vector.load %arg2[%get3A_157, %get3A_158, %get3A_159] : memref<16x128x32xf32, #tpu.memory_space<vmem>>, vector<1x128x32xf32>
    %get3A_161 = vector.shape_cast %get3A_160 : vector<1x128x32xf32> to vector<128x32xf32>
    %get3A_162 = arith.constant 8 : index
    %get3A_163 = arith.constant 0 : index
    %get3A_164 = arith.constant 0 : index
    %get3A_165 = vector.load %arg2[%get3A_162, %get3A_163, %get3A_164] : memref<16x128x32xf32, #tpu.memory_space<vmem>>, vector<1x128x32xf32>
    %get3A_166 = vector.shape_cast %get3A_165 : vector<1x128x32xf32> to vector<128x32xf32>
    %get3A_167 = arith.constant 9 : index
    %get3A_168 = arith.constant 0 : index
    %get3A_169 = arith.constant 0 : index
    %get3A_170 = vector.load %arg2[%get3A_167, %get3A_168, %get3A_169] : memref<16x128x32xf32, #tpu.memory_space<vmem>>, vector<1x128x32xf32>
    %get3A_171 = vector.shape_cast %get3A_170 : vector<1x128x32xf32> to vector<128x32xf32>
    %get3A_172 = arith.constant 10 : index
    %get3A_173 = arith.constant 0 : index
    %get3A_174 = arith.constant 0 : index
    %get3A_175 = vector.load %arg2[%get3A_172, %get3A_173, %get3A_174] : memref<16x128x32xf32, #tpu.memory_space<vmem>>, vector<1x128x32xf32>
    %get3A_176 = vector.shape_cast %get3A_175 : vector<1x128x32xf32> to vector<128x32xf32>
    %get3A_177 = arith.constant 11 : index
    %get3A_178 = arith.constant 0 : index
    %get3A_179 = arith.constant 0 : index
    %get3A_180 = vector.load %arg2[%get3A_177, %get3A_178, %get3A_179] : memref<16x128x32xf32, #tpu.memory_space<vmem>>, vector<1x128x32xf32>
    %get3A_181 = vector.shape_cast %get3A_180 : vector<1x128x32xf32> to vector<128x32xf32>
    %get3A_182 = arith.constant 12 : index
    %get3A_183 = arith.constant 0 : index
    %get3A_184 = arith.constant 0 : index
    %get3A_185 = vector.load %arg2[%get3A_182, %get3A_183, %get3A_184] : memref<16x128x32xf32, #tpu.memory_space<vmem>>, vector<1x128x32xf32>
    %get3A_186 = vector.shape_cast %get3A_185 : vector<1x128x32xf32> to vector<128x32xf32>
    %get3A_187 = arith.constant 13 : index
    %get3A_188 = arith.constant 0 : index
    %get3A_189 = arith.constant 0 : index
    %get3A_190 = vector.load %arg2[%get3A_187, %get3A_188, %get3A_189] : memref<16x128x32xf32, #tpu.memory_space<vmem>>, vector<1x128x32xf32>
    %get3A_191 = vector.shape_cast %get3A_190 : vector<1x128x32xf32> to vector<128x32xf32>
    %get3A_192 = arith.constant 14 : index
    %get3A_193 = arith.constant 0 : index
    %get3A_194 = arith.constant 0 : index
    %get3A_195 = vector.load %arg2[%get3A_192, %get3A_193, %get3A_194] : memref<16x128x32xf32, #tpu.memory_space<vmem>>, vector<1x128x32xf32>
    %get3A_196 = vector.shape_cast %get3A_195 : vector<1x128x32xf32> to vector<128x32xf32>
    %get3A_197 = arith.constant 15 : index
    %get3A_198 = arith.constant 0 : index
    %get3A_199 = arith.constant 0 : index
    %get3A_200 = vector.load %arg2[%get3A_197, %get3A_198, %get3A_199] : memref<16x128x32xf32, #tpu.memory_space<vmem>>, vector<1x128x32xf32>
    %get3A_201 = vector.shape_cast %get3A_200 : vector<1x128x32xf32> to vector<128x32xf32>
    %concatenate3A_202 = tpu.concatenate %get3A_126, %get3A_131, %get3A_136, %get3A_141, %get3A_146, %get3A_151, %get3A_156, %get3A_161, %get3A_166, %get3A_171, %get3A_176, %get3A_181, %get3A_186, %get3A_191, %get3A_196, %get3A_201 in 0 : vector<128x32xf32>, vector<128x32xf32>, vector<128x32xf32>, vector<128x32xf32>, vector<128x32xf32>, vector<128x32xf32>, vector<128x32xf32>, vector<128x32xf32>, vector<128x32xf32>, vector<128x32xf32>, vector<128x32xf32>, vector<128x32xf32>, vector<128x32xf32>, vector<128x32xf32>, vector<128x32xf32>, vector<128x32xf32> -> vector<2048x32xf32>
    %add3A_203 = arith.constant 9.99999997E-7 : f32
    %add3A_204 = vector.broadcast %add3A_203 : f32 to vector<2048x32xf32>
    %add3A_205 = arith.addf %add3A_121, %add3A_204 : vector<2048x32xf32>
    %sqrt3A = math.sqrt %add3A_205 : vector<2048x32xf32>
    %mul3A = arith.mulf %concatenate3A_202, %sqrt3A : vector<2048x32xf32>
    %add3A_206 = arith.addf %mul3A, %sub3A : vector<2048x32xf32>
    %swap3A = arith.constant 0 : index
    %swap3A_207 = arith.constant 0 : index
    %swap3A_208 = vector.load %arg9[%swap3A, %swap3A_207] : memref<2048x32xf32, #tpu.memory_space<vmem>>, vector<2048x32xf32>
    tpu.vector_store %arg9[%swap3A, %swap3A_207], %add3A_206 {strides = array<i32>} : memref<2048x32xf32, #tpu.memory_space<vmem>>, vector<2048x32xf32>,
    return
  }
  func.func @transform_0(%arg0: i32) -> (i32, i32, i32) {
    %c0_i32 = arith.constant 0 : i32
    %c0_i32_0 = arith.constant 0 : i32
    %c0_i32_1 = arith.constant 0 : i32
    return %c0_i32, %arg0, %c0_i32_0 : i32, i32, i32
  }
  func.func @transform_1(%arg0: i32) -> (i32, i32, i32) {
    %c0_i32 = arith.constant 0 : i32
    %c0_i32_0 = arith.constant 0 : i32
    %c0_i32_1 = arith.constant 0 : i32
    return %c0_i32, %arg0, %c0_i32_0 : i32, i32, i32
  }
  func.func @transform_2(%arg0: i32) -> (i32, i32) {
    %c0_i32 = arith.constant 0 : i32
    %c0_i32_0 = arith.constant 0 : i32
    %c0_i32_1 = arith.constant 0 : i32
    return %c0_i32, %c0_i32_0 : i32, i32
  }
  func.func @transform_3(%arg0: i32) -> i32 {
    %c0_i32 = arith.constant 0 : i32
    %c0_i32_0 = arith.constant 0 : i32
    return %c0_i32 : i32
  }
  func.func @transform_4(%arg0: i32) -> (i32, i32) {
    %c0_i32 = arith.constant 0 : i32
    %c0_i32_0 = arith.constant 0 : i32
    %c0_i32_1 = arith.constant 0 : i32
    return %c0_i32, %c0_i32_0 : i32, i32
  }
  func.func @transform_5(%arg0: i32) -> i32 {
    %c0_i32 = arith.constant 0 : i32
    %c0_i32_0 = arith.constant 0 : i32
    return %c0_i32 : i32
  }
  func.func @transform_6(%arg0: i32) -> (i32, i32) {
    %c0_i32 = arith.constant 0 : i32
    %c0_i32_0 = arith.constant 0 : i32
    %c0_i32_1 = arith.constant 0 : i32
    return %c0_i32, %c0_i32_0 : i32, i32
  }
  func.func @transform_7(%arg0: i32) -> i32 {
    %c0_i32 = arith.constant 0 : i32
    %c0_i32_0 = arith.constant 0 : i32
    return %c0_i32 : i32
  }
  func.func @transform_8(%arg0: i32) -> (i32, i32) {
    %c0_i32 = arith.constant 0 : i32
    %c0_i32_0 = arith.constant 0 : i32
    return %arg0, %c0_i32 : i32, i32
  }
}

module attributes {stable_mosaic.version = 14 : i64} {
  func.func @_dist_body(%arg0: i32, %arg1: i32, %arg2: memref<2048x32xf32, #tpu.memory_space<vmem>>, %arg3: memref<2048x1xf32, #tpu.memory_space<vmem>>, %arg4: memref<2048x32xf32, #tpu.memory_space<vmem>>, %arg5: memref<2048xf32, #tpu.memory_space<vmem>>, %arg6: memref<2048x1xi32, #tpu.memory_space<vmem>>, %arg7: memref<2048x1xf32, #tpu.memory_space<vmem>>, %arg8: memref<2048x1xi32, #tpu.memory_space<vmem>>, %arg9: memref<2048x2048xf32, #tpu.memory_space<vmem>>) attributes {dimension_semantics = [#tpu.dimension_semantics<arbitrary>, #tpu.dimension_semantics<arbitrary>], iteration_bounds = array<i64: 4, 4>, scalar_prefetch = 0 : i64, scratch_operands = 3 : i64, tpu.core_type = #tpu.core_type<tc>, window_params = [{transform_indices = @transform_0, window_bounds = array<i64: 2048, 32>}, {transform_indices = @transform_1, window_bounds = array<i64: 2048, 1>}, {transform_indices = @transform_2, window_bounds = array<i64: 2048, 32>}, {transform_indices = @transform_3, window_bounds = array<i64: 2048>}, {transform_indices = @transform_4, window_bounds = array<i64: 2048, 1>}]} {
    %eq3A = arith.constant 0 : i32
    %eq3A_0 = arith.cmpi eq, %arg0, %eq3A : i32
    %eq3A_1 = arith.constant 0 : i32
    %eq3A_2 = arith.cmpi eq, %arg1, %eq3A_1 : i32
    %and3A = arith.andi %eq3A_0, %eq3A_2 : i1
    %convert_element_type3A = arith.extui %and3A : i1 to i32
    %cond3A = arith.constant 0 : i32
    %cond3A_3 = arith.cmpi ne, %convert_element_type3A, %cond3A : i32
    scf.if %cond3A_3 {
      %iota3A_48 = tpu.iota {dimensions = array<i32: 1>} : vector<2048x2048xi32>
      %convert_element_type3A_49 = arith.sitofp %iota3A_48 : vector<2048x2048xi32> to vector<2048x2048xf32>
      %swap3A = arith.constant 0 : index
      %swap3A_50 = arith.constant 0 : index
      %swap3A_51 = vector.load %arg9[%swap3A, %swap3A_50] : memref<2048x2048xf32, #tpu.memory_space<vmem>>, vector<2048x2048xf32>
      tpu.vector_store %arg9[%swap3A, %swap3A_50], %convert_element_type3A_49 {strides = array<i32>} : memref<2048x2048xf32, #tpu.memory_space<vmem>>, vector<2048x2048xf32>,
    } else {
    }
    %get3A = arith.constant 0 : index
    %get3A_4 = arith.constant 0 : index
    %get3A_5 = vector.load %arg2[%get3A, %get3A_4] : memref<2048x32xf32, #tpu.memory_space<vmem>>, vector<2048x32xf32>
    %add3A = arith.addf %get3A_5, %get3A_5 : vector<2048x32xf32>
    %convert_element_type3A_6 = arith.truncf %add3A : vector<2048x32xf32> to vector<2048x32xbf16>
    %get3A_7 = arith.constant 0 : index
    %get3A_8 = arith.constant 0 : index
    %get3A_9 = vector.load %arg4[%get3A_7, %get3A_8] : memref<2048x32xf32, #tpu.memory_space<vmem>>, vector<2048x32xf32>
    %dot_general3A = arith.constant dense<0.000000e+00> : vector<2048x2048xf32>
    %dot_general3A_10 = tpu.matmul %convert_element_type3A_6, %get3A_9, %dot_general3A {dimension_numbers = #tpu.dot_dimension_numbers<[1], [1], [0], [0], [0, 0, 1, 0], [], []>, transpose_lhs_hint = false} : vector<2048x32xbf16>, vector<2048x32xf32>, vector<2048x2048xf32> -> vector<2048x2048xf32>
    %get3A_11 = arith.constant 0 : index
    %get3A_12 = arith.constant 0 : index
    %get3A_13 = vector.load %arg3[%get3A_11, %get3A_12] : memref<2048x1xf32, #tpu.memory_space<vmem>>, vector<2048x1xf32>
    %sub3A = vector.broadcast %get3A_13 : vector<2048x1xf32> to vector<2048x2048xf32>
    %sub3A_14 = arith.subf %sub3A, %dot_general3A_10 : vector<2048x2048xf32>
    %get3A_15 = arith.constant 0 : index
    %get3A_16 = vector.load %arg5[%get3A_15] : memref<2048xf32, #tpu.memory_space<vmem>>, vector<2048xf32>
    %broadcast_in_dim3A = vector.shape_cast %get3A_16 : vector<2048xf32> to vector<1x2048xf32>
    %add3A_17 = vector.broadcast %broadcast_in_dim3A : vector<1x2048xf32> to vector<2048x2048xf32>
    %add3A_18 = arith.addf %sub3A_14, %add3A_17 : vector<2048x2048xf32>
    %reduce_min3A = arith.constant dense<0x7F800000> : vector<2048xf32>
    %reduce_min3A_19 = vector.multi_reduction <minimumf>, %add3A_18, %reduce_min3A [1] : vector<2048x2048xf32> to vector<2048xf32>
    %broadcast_in_dim3A_20 = vector.shape_cast %reduce_min3A_19 : vector<2048xf32> to vector<2048x1xf32>
    %iota3A = tpu.iota {dimensions = array<i32: 1>} : vector<2048x2048xi32>
    %convert_element_type3A_21 = arith.sitofp %iota3A : vector<2048x2048xi32> to vector<2048x2048xf32>
    %eq3A_22 = vector.broadcast %broadcast_in_dim3A_20 : vector<2048x1xf32> to vector<2048x2048xf32>
    %eq3A_23 = arith.cmpf oeq, %add3A_18, %eq3A_22 : vector<2048x2048xf32>
    %jit3A = arith.constant 1.000000e+09 : f32
    %broadcast_in_dim3A_24 = vector.broadcast %jit3A : f32 to vector<2048x2048xf32>
    %select_n3A = arith.select %eq3A_23, %convert_element_type3A_21, %broadcast_in_dim3A_24 : vector<2048x2048xi1>, vector<2048x2048xf32>
    %reduce_min3A_25 = arith.constant dense<0x7F800000> : vector<2048xf32>
    %reduce_min3A_26 = vector.multi_reduction <minimumf>, %select_n3A, %reduce_min3A_25 [1] : vector<2048x2048xf32> to vector<2048xf32>
    %broadcast_in_dim3A_27 = vector.shape_cast %reduce_min3A_26 : vector<2048xf32> to vector<2048x1xf32>
    %convert_element_type3A_28 = arith.fptosi %broadcast_in_dim3A_27 : vector<2048x1xf32> to vector<2048x1xi32>
    %mul3A = arith.constant 2048 : i32
    %mul3A_29 = arith.muli %arg1, %mul3A : i32
    %add3A_30 = vector.broadcast %mul3A_29 : i32 to vector<2048x1xi32>
    %add3A_31 = arith.addi %convert_element_type3A_28, %add3A_30 : vector<2048x1xi32>
    %convert_element_type3A_32 = arith.truncf %broadcast_in_dim3A_20 : vector<2048x1xf32> to vector<2048x1xbf16>
    %convert_element_type3A_33 = arith.extf %convert_element_type3A_32 : vector<2048x1xbf16> to vector<2048x1xf32>
    %eq3A_34 = arith.constant 0 : i32
    %eq3A_35 = arith.cmpi eq, %arg1, %eq3A_34 : i32
    %convert_element_type3A_36 = arith.extui %eq3A_35 : i1 to i32
    %cond3A_37 = arith.constant 0 : i32
    %cond3A_38 = arith.cmpi ne, %convert_element_type3A_36, %cond3A_37 : i32
    scf.if %cond3A_38 {
      %swap3A = arith.constant 0 : index
      %swap3A_48 = arith.constant 0 : index
      %swap3A_49 = vector.load %arg7[%swap3A, %swap3A_48] : memref<2048x1xf32, #tpu.memory_space<vmem>>, vector<2048x1xf32>
      tpu.vector_store %arg7[%swap3A, %swap3A_48], %convert_element_type3A_33 {strides = array<i32>} : memref<2048x1xf32, #tpu.memory_space<vmem>>, vector<2048x1xf32>,
      %swap3A_50 = arith.constant 0 : index
      %swap3A_51 = arith.constant 0 : index
      %swap3A_52 = vector.load %arg8[%swap3A_50, %swap3A_51] : memref<2048x1xi32, #tpu.memory_space<vmem>>, vector<2048x1xi32>
      tpu.vector_store %arg8[%swap3A_50, %swap3A_51], %add3A_31 {strides = array<i32>} : memref<2048x1xi32, #tpu.memory_space<vmem>>, vector<2048x1xi32>,
    } else {
    }
    %ne3A = arith.constant 0 : i32
    %ne3A_39 = arith.cmpi ne, %arg1, %ne3A : i32
    %convert_element_type3A_40 = arith.extui %ne3A_39 : i1 to i32
    %cond3A_41 = arith.constant 0 : i32
    %cond3A_42 = arith.cmpi ne, %convert_element_type3A_40, %cond3A_41 : i32
    scf.if %cond3A_42 {
      %get3A_48 = arith.constant 0 : index
      %get3A_49 = arith.constant 0 : index
      %get3A_50 = vector.load %arg7[%get3A_48, %get3A_49] : memref<2048x1xf32, #tpu.memory_space<vmem>>, vector<2048x1xf32>
      %lt3A = arith.cmpf olt, %broadcast_in_dim3A_20, %get3A_50 : vector<2048x1xf32>
      %get3A_51 = arith.constant 0 : index
      %get3A_52 = arith.constant 0 : index
      %get3A_53 = vector.load %arg8[%get3A_51, %get3A_52] : memref<2048x1xi32, #tpu.memory_space<vmem>>, vector<2048x1xi32>
      %select_n3A_54 = arith.select %lt3A, %add3A_31, %get3A_53 : vector<2048x1xi1>, vector<2048x1xi32>
      %swap3A = arith.constant 0 : index
      %swap3A_55 = arith.constant 0 : index
      %swap3A_56 = vector.load %arg8[%swap3A, %swap3A_55] : memref<2048x1xi32, #tpu.memory_space<vmem>>, vector<2048x1xi32>
      tpu.vector_store %arg8[%swap3A, %swap3A_55], %select_n3A_54 {strides = array<i32>} : memref<2048x1xi32, #tpu.memory_space<vmem>>, vector<2048x1xi32>,
      %get3A_57 = arith.constant 0 : index
      %get3A_58 = arith.constant 0 : index
      %get3A_59 = vector.load %arg7[%get3A_57, %get3A_58] : memref<2048x1xf32, #tpu.memory_space<vmem>>, vector<2048x1xf32>
      %select_n3A_60 = arith.select %lt3A, %convert_element_type3A_33, %get3A_59 : vector<2048x1xi1>, vector<2048x1xf32>
      %swap3A_61 = arith.constant 0 : index
      %swap3A_62 = arith.constant 0 : index
      %swap3A_63 = vector.load %arg7[%swap3A_61, %swap3A_62] : memref<2048x1xf32, #tpu.memory_space<vmem>>, vector<2048x1xf32>
      tpu.vector_store %arg7[%swap3A_61, %swap3A_62], %select_n3A_60 {strides = array<i32>} : memref<2048x1xf32, #tpu.memory_space<vmem>>, vector<2048x1xf32>,
    } else {
    }
    %eq3A_43 = arith.constant 3 : i32
    %eq3A_44 = arith.cmpi eq, %arg1, %eq3A_43 : i32
    %convert_element_type3A_45 = arith.extui %eq3A_44 : i1 to i32
    %cond3A_46 = arith.constant 0 : i32
    %cond3A_47 = arith.cmpi ne, %convert_element_type3A_45, %cond3A_46 : i32
    scf.if %cond3A_47 {
      %get3A_48 = arith.constant 0 : index
      %get3A_49 = arith.constant 0 : index
      %get3A_50 = vector.load %arg8[%get3A_48, %get3A_49] : memref<2048x1xi32, #tpu.memory_space<vmem>>, vector<2048x1xi32>
      %swap3A = arith.constant 0 : index
      %swap3A_51 = arith.constant 0 : index
      %swap3A_52 = vector.load %arg6[%swap3A, %swap3A_51] : memref<2048x1xi32, #tpu.memory_space<vmem>>, vector<2048x1xi32>
      tpu.vector_store %arg6[%swap3A, %swap3A_51], %get3A_50 {strides = array<i32>} : memref<2048x1xi32, #tpu.memory_space<vmem>>, vector<2048x1xi32>,
    } else {
    }
    return
  }
  func.func @transform_0(%arg0: i32, %arg1: i32) -> (i32, i32) {
    %c0_i32 = arith.constant 0 : i32
    %c0_i32_0 = arith.constant 0 : i32
    return %arg0, %c0_i32 : i32, i32
  }
  func.func @transform_1(%arg0: i32, %arg1: i32) -> (i32, i32) {
    %c0_i32 = arith.constant 0 : i32
    %c0_i32_0 = arith.constant 0 : i32
    return %arg0, %c0_i32 : i32, i32
  }
  func.func @transform_2(%arg0: i32, %arg1: i32) -> (i32, i32) {
    %c0_i32 = arith.constant 0 : i32
    %c0_i32_0 = arith.constant 0 : i32
    return %arg1, %c0_i32 : i32, i32
  }
  func.func @transform_3(%arg0: i32, %arg1: i32) -> i32 {
    %c0_i32 = arith.constant 0 : i32
    return %arg1 : i32
  }
  func.func @transform_4(%arg0: i32, %arg1: i32) -> (i32, i32) {
    %c0_i32 = arith.constant 0 : i32
    %c0_i32_0 = arith.constant 0 : i32
    return %arg0, %c0_i32 : i32, i32
  }
}

</mosaic_0001>

<sc_bundles>
// kernel: kernel.5.cloned.1.call-start
scs
__scs_entry_jumppad:
0x0: {  	(pc) =	sbr.rel $0x88, $3  }
0x1: {  	(tag) =	ssettag $0x0;
	lr =	simm.s32 $0x1  }
0x2: {  	[smem:$0x3F98] =	sst lr;
	_ =	strace $0xD0000000  }
0x3: {  	_ = 	snop  }
0x4: {  	_ = 	snop  }
0x5: {  	_ = 	snop  }
0x6: {  	_ = 	snop  }
0x7: {  	_ = 	snop  }
__scs_overlays_trampoline_lowered:
0x8: {  	[smem:$0x3FA7] =	sst s0  }
0x9: {  	[smem:$0x3FA8] =	sst s1  }
0xa: {  	[smem:$0x3FA9] =	sst s2  }
0xb: {  	[smem:$0x3FAA] =	sst s3  }
0xc: {  	[smem:$0x3FAB] =	sst s4  }
0xd: {  	[smem:$0x3FAC] =	sst s5  }
0xe: {  	[smem:$0x3FAD] =	sst s6  }
0xf: {  	[smem:$0x3FAE] =	sst s7  }
0x10: {  	[smem:$0x3FAF] =	sst s8  }
0x11: {  	[smem:$0x3FB0] =	sst s9;
	s0 =	simm.s32 @!p0 $0x0  }
0x12: {  	s1 =	sld [smem:$0x3F96];
	s0 =	simm.s32 @p0 $0x1  }
0x13: {  	[smem:$0x3FB1] =	sst s0;
	s0 =	simm.s32 @!p1 $0x0  }
0x14: {  	s2 =	sld [smem:$0x3F95];
	s0 =	simm.s32 @p1 $0x1  }
0x15: {  	[smem:$0x3FB2] =	sst s0;
	s0 =	simm.s32 @!p2 $0x0  }
0x16: {  	s3 =	sld [smem:$0x3FDB];
	s0 =	simm.s32 @p2 $0x1  }
0x17: {  	s4 =	simm.s32 $0x1BF5;
	[smem:$0x3FB4] =	sst s0  }
0x18: {  	s0 =	sld [smem:$0x3F97];
	_ =	swait.ge [sflag:s4], $0x0  }
0x19: {  	s7 =	sld [smem:$0x3F98]  }
0x1a: {  	s8 =	sadd.s32 $0xFFFFE003, lr  }
0x1b: {  	s9 =	sadd.s32 $0xFFFFFEF7, lr;
	s5 =	simm.s32 $0xFFFFFFFF;
	p2 =	slt.u32 s8, $0xFFFFF086  }
0x1c: {  	p1 =	slt.u32 s9, $0xF7A;
	s5 =	simm.s32 @!p2 $0x0  }
0x1d: {  	s5 =	simm.s32 @p1 $0x1;
	p0 =	seq.s32 s7, s2  }
0x1e: {  	s7 =	smul.u32 @!p0 $0xF7A, s2;
	p2 =	seq.s32 @!p0 s5, $0x0  }
0x1f: {  	s9 =	smul.u32 $0xF7A, s1;
	s8 =	simm.s32 @!p0 $0x1BF5;
	p2 =	por !p2, p0  }
0x20: {  	[sflag:s8] =	ssyncset.s32 @!p0 $0xFFFFF086;
	s6 =	sadd.s32 @!p0 s3, s7;
	s7 =	simm.s32 @!p0 $0x108  }
0x21: {  	s3 =	sadd.s32 s3, s9;
	s6 =	sadd.s32 @!p0 $0x88, s6;
	s7 =	simm.s32 @p2 $0x1082  }
0x22: {  	[simem:s7], [sflag:s8] =	dma.local @!p0 [hbm:s6], $0xF7A  }
0x23: {  	s9 =	sor.u32 $0xD0000000, s2;
	s6 =	simm.s32 $0x108;
	_ =	swait.ge @!p0 [sflag:s8], $0x0  }
0x24: {  	s3 =	sadd.s32 $0x88, s3;
	s6 =	simm.s32 @!p1 $0x1082;
	[sflag:s4] =	ssyncset.s32 $0xFFFFF086  }
0x25: {  	[simem:s6], [sflag:s4] =	dma.local [hbm:s3], $0xF7A  }
0x26: {  	[smem:$0x3F98] =	sst s1;
	(tag) =	ssettag s2;
	_ =	strace s9  }
0x27: {  	s1 =	sld [smem:$0x3FA8]  }
0x28: {  	s2 =	sld [smem:$0x3FA9]  }
0x29: {  	s4 =	sld [smem:$0x3FAB]  }
0x2a: {  	p0 =	seq.s32 s5, $0x0;
	s5 =	sld [smem:$0x3FAC]  }
0x2b: {  	s6 =	sld [smem:$0x3FAD]  }
0x2c: {  	s7 =	sld [smem:$0x3FAE]  }
0x2d: {  	s3 =	simm.s32 $0x108;
	s8 =	sld [smem:$0x3FAF]  }
0x2e: {  	s3 =	simm.s32 @!p0 $0x1082;
	s9 =	sld [smem:$0x3FB0]  }
0x2f: {  	lr =	sadd.s32 s0, s3;
	s0 =	sld [smem:$0x3FA7]  }
0x30: {  	s3 =	sld [smem:$0x3FAA]  }
0x31: {  	[smem:$0x3FB3] =	sst s10  }
0x32: {  	s10 =	sld [smem:$0x3FB1];
	_ =	sdelay $0x3  }
0x33: {  	p0 =	seq.s32 s10, $0x1;
	s10 =	sld [smem:$0x3FB3];
	_ =	sdelay $0x3  }
0x34: {  	[smem:$0x3FB3] =	sst s10  }
0x35: {  	s10 =	sld [smem:$0x3FB2];
	_ =	sdelay $0x3  }
0x36: {  	p1 =	seq.s32 s10, $0x1;
	s10 =	sld [smem:$0x3FB3];
	_ =	sdelay $0x3  }
0x37: {  	[smem:$0x3FB3] =	sst s10  }
0x38: {  	s10 =	sld [smem:$0x3FB4]  }
0x39: {  	_ = 	snop;
	(pc) =	sbr.ind lr, $3  }
0x3a: {  	_ = 	snop  }
0x3b: {  	_ = 	snop  }
0x3c: {  	p2 =	seq.s32 s10, $0x1;
	s10 =	sld [smem:$0x3FB3]  }
0x3d: {  	_ =	shalt  }
0x3e: {  	_ =	shalt  }
0x3f: {  	_ =	shalt  }
0x40: {  	_ =	shalt  }
0x41: {  	_ =	shalt  }
0x42: {  	_ =	shalt  }
0x43: {  	_ =	shalt  }
0x44: {  	_ =	shalt  }
0x45: {  	_ =	shalt  }
0x46: {  	_ =	shalt  }
0x47: {  	_ =	shalt  }
0x48: {  	_ =	shalt  }
0x49: {  	_ =	shalt  }
0x4a: {  	_ =	shalt  }
0x4b: {  	_ =	shalt  }
0x4c: {  	_ =	shalt  }
0x4d: {  	_ =	shalt  }
0x4e: {  	_ =	shalt  }
0x4f: {  	_ =	shalt  }
0x50: {  	_ =	shalt  }
0x51: {  	_ =	shalt  }
0x52: {  	_ =	shalt  }
0x53: {  	_ =	shalt  }
0x54: {  	_ =	shalt  }
0x55: {  	_ =	shalt  }
0x56: {  	_ =	shalt  }
0x57: {  	_ =	shalt  }
0x58: {  	_ =	shalt  }
0x59: {  	_ =	shalt  }
0x5a: {  	_ =	shalt  }
0x5b: {  	_ =	shalt  }
0x5c: {  	_ =	shalt  }
0x5d: {  	_ =	shalt  }
0x5e: {  	_ =	shalt  }
0x5f: {  	_ =	shalt  }
0x60: {  	_ =	shalt  }
0x61: {  	_ =	shalt  }
0x62: {  	_ =	shalt  }
0x63: {  	_ =	shalt  }
0x64: {  	_ =	shalt  }
0x65: {  	_ =	shalt  }
0x66: {  	_ =	shalt  }
0x67: {  	_ =	shalt  }
0x68: {  	_ =	shalt  }
0x69: {  	_ =	shalt  }
0x6a: {  	_ =	shalt  }
0x6b: {  	_ =	shalt  }
0x6c: {  	_ =	shalt  }
0x6d: {  	_ =	shalt  }
0x6e: {  	_ =	shalt  }
0x6f: {  	_ =	shalt  }
0x70: {  	_ =	shalt  }
0x71: {  	_ =	shalt  }
0x72: {  	_ =	shalt  }
0x73: {  	_ =	shalt  }
0x74: {  	_ =	shalt  }
0x75: {  	_ =	shalt  }
0x76: {  	_ =	shalt  }
0x77: {  	_ =	shalt  }
0x78: {  	_ =	shalt  }
0x79: {  	_ =	shalt  }
0x7a: {  	_ =	shalt  }
0x7b: {  	_ =	shalt  }
0x7c: {  	_ =	shalt  }
0x7d: {  	_ =	shalt  }
0x7e: {  	_ =	shalt  }
0x7f: {  	_ =	shalt  }
0x80: {  	_ =	shalt  }
0x81: {  	_ =	shalt  }
0x82: {  	_ =	shalt  }
0x83: {  	_ =	shalt  }
0x84: {  	_ =	shalt  }
0x85: {  	_ =	shalt  }
0x86: {  	_ =	shalt  }
0x87: {  	_ =	shalt  }
.Lfunc_end0:
.L_simem_size_0:
called_computation_lowered:
.L_overlay_start_0:
0x88: {  	s2 =	sld [smem:$0x3FD9]  }
0x89: {  	s3 =	sld [smem:$0x3FFE];
	_ =	sdelay $0x1  }
0x8a: {  	s1 =	srdreg.scid  }
0x8b: {  	s0 =	sand.u32 $0x1, s1  }
0x8c: {  	s14 =	sshll.u32 s0, $0xA;
	s2 =	sadd.s32 s3, s2  }
0x8d: {  	s2 =	sadd.s32 s2, s14  }
0x8e: {  	[smem:$0x3FBF] =	sst s2  }
0x8f: {  	_ = 	snop  }
0x90: {  	s2 =	sld [smem:$0x3FD0];
	_ =	sdelay $0x2  }
0x91: {  	s15 =	simm.s32 $0xA;
	s4 =	simm.s32 $0x10  }
0x92: {  	[smem:s4], [sflag:s15] =	dma.local [hbm:s2], $0x1  }
0x93: {  	_ =	swait.eq [sflag:s15], $0x1  }
0x94: {  	[sflag:s15] =	ssyncset.done $0x0  }
0x95: {  	[sflag:s15] =	ssyncadd.s32 $0xFFFFFFFF  }
0x96: {  	s16 =	sld [smem:$0x10];
	(tm) =	ssettm $0x1  }
0x97: {  	s17 =	sld [smem:$0x3FFB];
	_ =	sdelay $0x3  }
0x98: {  	_ =	strace s17  }
0x99: {  	s3 =	sld [smem:$0x3FFC];
	_ =	sdelay $0x3  }
0x9a: {  	_ =	strace s3  }
0x9b: {  	s3 =	sld [smem:$0x3FFD];
	_ =	sdelay $0x3  }
0x9c: {  	_ =	strace s3  }
0x9d: {  	_ =	strace $0x8FFFFFFF  }
0x9e: {  	s18 =	sld [smem:$0x3FDB];
	_ =	sdelay $0x1  }
0x9f: {  	s19 =	simm.s32 $_scs_section_size  }
0xa0: {  	s5 =	simm.s32 $_size__tile_overlayer_lowered;
	s6 =	simm.s32 $_tile_overlayer_lowered  }
0xa1: {  	s22 =	simm.s32 $0x1BFF;
	s21 =	sshll.u32 s6, $0x1;
	s3 =	sadd.s32 s19, s18  }
0xa2: {  	s7 =	simm.s32 $0x0;
	s20 =	sshll.u32 s5, $0x1;
	s5 =	sadd.s32 s21, s3  }
0xa3: {  	[timem:s7], [sflag:s22] =	dma.local [hbm:s5], s20  }
0xa4: {  	_ =	swait.ge [sflag:s22], s20  }
0xa5: {  	s4 =	ssub.s32 $0x0, s20;
	[sflag:s22] =	ssyncset.done $0x0  }
0xa6: {  	[sflag:s22] =	ssyncadd.s32 s4;
	_ =	sdelay $0x1  }
0xa7: {  	s23 =	simm.s32 $0x1B8B  }
0xa8: {  	_ =	swait.ge [sflag:s23], $0x1  }
0xa9: {  	[sflag:s23] =	ssyncset.done $0x0  }
0xaa: {  	s25 =	simm.s32 $0x1B8E;
	s24 =	sld [smem:$0x3FFE];
	[sflag:s23] =	ssyncadd.s32 $0xFFFFFFFF  }
0xab: {  	s26 =	simm.s32 $execute0_lowered;
	[smem:$0x3FD2] =	sst s25  }
0xac: {  	s5 =	sshll.u32 s26, $0x1;
	_ =	strace $0x80000046;
	[dreg:$0x1] =	wrdreg $0xFFFFFFFF  }
0xad: {  	s28 =	simm.s32 $_size_execute0_lowered;
	s3 =	sadd.s32 s3, s5;
	[dreg:$0x0] =	wrdreg $0x0  }
0xae: {  	s5 =	sshll.u32 s28, $0x1;
	[dreg:$0x2] =	wrdreg s3  }
0xaf: {  	[dreg:$0x3] =	wrdreg s5  }
0xb0: {  	[dreg:$0x4] =	wrdreg $0xC0  }
0xb1: {  	_ =	task [dreg:s7], $0x5FFFF  }
0xb2: {  	[dreg:$0x1] =	wrdreg $0xFFFFFFFF  }
0xb3: {  	[dreg:$0x0] =	wrdreg $0x60  }
0xb4: {  	[dreg:$0x2] =	wrdreg s24  }
0xb5: {  	[dreg:$0x3] =	wrdreg s16  }
0xb6: {  	[dreg:$0x4] =	wrdreg $0x9  }
0xb7: {  	_ =	task.clear_ibuf [dreg:s7], $0x5FFFF;
	_ =	strace $0x90000046  }
0xb8: {  	s29 =	simm.s32 $0x9;
	_ =	strace $0x80000048  }
0xb9: {  	_ =	swait.ge [sflag:s29], $0x1  }
0xba: {  	[sflag:s29] =	ssyncadd.s32 $0xFFFFFFFF  }
0xbb: {  	_ =	strace $0x90000048  }
0xbc: {  	_ =	sfence  }
0xbd: {  	s30 =	sld [smem:$0x0];
	_ =	sdelay $0x2  }
0xbe: {  	s31 =	sshll.u32 s1, $0xD;
	s1 =	sshrl.u32 s1, $0x2  }
0xbf: {  	s3 =	sand.u32 $0x4000, s31;
	s1 =	sadd.s32 s1, s30  }
0xc0: {  	s0 =	sor.u32 s3, s0;
	s1 =	sshll.u32 s1, $0x11  }
0xc1: {  	s0 =	sor.u32 s1, s0  }
0xc2: {  	s0 =	sadd.s32 $0x8F2B, s0  }
0xc3: {  	[sflag:s0] =	ssyncadd.remote.s32 $0x1  }
0xc4: {  	_ =	sfence.sel $0xFFFF  }
0xc5: {  	[dreg:$0x0] =	wrdreg $0xFFFFFFFF;
	(pc) =	sbr.abs _section_cstart, $3  }
0xc6: {  	[dreg:$0x1] =	wrdreg $0xFFFFFFFF  }
0xc7: {  	_ =	task.clear_ibuf [dreg:s7], $0x2FFFF;
	_ =	strace $0x9FFFFFFF  }
0xc8: {  	(tm) =	ssettm $0x7FFFFFFF  }
0xc9: {  	_ =	shalt  }
tec
execute0_lowered:
.L_overlay_start_1:
0x0: {  	(tag) =	ssettag $0x1  }
0x1: {  	s4 =	rddreg [dreg:$0x0]  }
0x2: {  	s6 =	rddreg [dreg:$0x1]  }
0x3: {  	s0 =	rddreg [dreg:$0x2];
	s2 =	simm.s32 $0x0;
	s5 =	srdreg.scid  }
0x4: {  	s1 =	stileid.u32;
	s15 =	simm.s32 $0x1;
	s16 =	simm.s32 $0x2  }
0x5: {  	s17 =	simm.s32 $0x8080;
	s18 =	simm.s32 $0xC080;
	s19 =	simm.s32 $0x0  }
0x6: {  	[smem:$0x7FF] =	sst s2;
	s3 =	sadd.s32 $0x20A00, s4;
	s5 =	sand.u32 $0x1, s5  }
0x7: {  	s7 =	sshll.u32 s1, $0x1;
	s8 =	sadd.s32 $0xA00, s4;
	s9 =	sadd.s32 $0x40A00, s4  }
0x8: {  	s29 =	sshll.u32 s1, $0x6;
	_ =	strace $0x80000047;
	s7 =	sor.u32 s5, s7  }
0x9: {  	s5 =	ssub.s32 $0x2, s5;
	s12 =	sand.u32 $0x380, s29;
	s10 =	sshll.u32 s7, $0x4  }
0xa: {  	s11 =	sshrl.u32 s5, $0x1;
	s30 =	sshll.u32 s7, $0x5;
	s13 =	sshllo.u32 s7, $0x1  }
0xb: {  	s7 =	sshll.u32 s7, $0xC;
	s12 =	sadd.s32 s6, s12;
	s10 =	sadd.s32 s10, s4  }
0xc: {  	s11 =	ssub.s32 s5, s11;
	s4 =	sadd.s32 s6, s30;
	s14 =	sshll.u32 s13, $0x4  }
0xd: {  	s5 =	sadd.s32 s8, s7;
	s6 =	sadd.s32 s9, s7;
	s31 =	sshll.u32 s13, $0xB  }
0xe: {  	s13 =	simm.s32 $0x80;
	s14 =	sand.u32 $0x70, s14;
	s8 =	sadd.s32 s8, s31  }
0xf: {  	s9 =	sadd.s32 s9, s31;
	s10 =	sadd.s32 $0x60A00, s10;
	s11 =	smax.u32 s11, $0x1  }
0x10: {  	s7 =	sadd.s32 s14, s12;
	s12 =	simm.s32 $0x3;
	s14 =	simm.s32 $0x4080  }
.LBB2_1:
0x11: {  	[tilespmem:s2], [sflag:$0x3] =	stream.linear.gather [hbm4b:s4+s2], $0x80, $0x38;
	[tilespmem:$0xC100] =	vst v63  }
0x12: {  	_ =	swait.ge [sflag:s12], $0x80  }
0x13: {  	[sflag:s12] =	ssyncset.done $0x0  }
0x14: {  	[sflag:s12] =	ssyncadd.s32 $0xFFFFFF80  }
0x15: {  	[tilespmem:s13], [sflag:$0x1] =	stream.indirect.gather [hbm4b:s3+s13], $0x80, s2, s13, $0xb8;
	[tilespmem:$0xC100] =	vst v63  }
0x16: {  	_ = 	snop  }
0x17: {  	[tilespmem:s14], [sflag:$0x2] =	stream.linear.gather [hbm4b:s5+s2], $0x4000, $0x38;
	[tilespmem:$0xC100] =	vst v63  }
0x18: {  	_ =	swait.ge [sflag:s15], $0x4000  }
0x19: {  	[sflag:s15] =	ssyncset.done $0x0  }
0x1a: {  	[sflag:s15] =	ssyncadd.s32 $0xFFFFC000  }
0x1b: {  	_ =	swait.ge [sflag:s16], $0x4000  }
0x1c: {  	[sflag:s16] =	ssyncset.done $0x0  }
0x1d: {  	s21 =	simm.s32 $0x0;
	[sflag:s16] =	ssyncadd.s32 $0xFFFFC000  }
0x1e: {  	v3 =	vld [tilespmem:s21+$0x4080]  }
0x1f: {  	v1 =	vld [tilespmem:s21+$0x80]  }
0x20: {  	v4 =	vld [tilespmem:s21+$0x4090]  }
0x21: {  	v2 =	vld [tilespmem:s21+$0x90];
	_ =	sdelay $0x1  }
0x22: {  	s20 =	simm.s32 $0x80  }
0x23: {  	v0 =	vld [tilespmem:s20+$0x4080];
	v5 =	vsub.f32 v3, v1  }
0x24: {  	v6 =	vsub.f32 v1, v3;
	v1 =	vld [tilespmem:s20+$0x80]  }
0x25: {  	v8 =	vsub.f32 v2, v4;
	v9 =	vsub.f32 v4, v2;
	v2 =	vld [tilespmem:s20+$0x4090];
	v5 =	vmul.f32 v5, v5  }
0x26: {  	v10 =	vimm.f32 $0.0e+00;
	v7 =	vadd.f32 v6, v3;
	v3 =	vld [tilespmem:s20+$0x90]  }
0x27: {  	s22 =	simm.s32 $0x400;
	v6 =	vadd.f32 v8, v4;
	v4 =	vadd.f32 v5, v10;
	v5 =	vmul.f32 v9, v9  }
.LBB2_2:
0x28: {  	s23 =	sshra.s32 s22, $0x2;
	[tilespmem:s21+$0x8080] =	vst v7;
	v7 =	vmov v0;
	p0 =	sne.s32 s22, $0xFE00  }
.Ltmp0:
0x29: {  	s22 =	sadd.s32 $0x200, s22;
	v0 =	vld [tilespmem:s23+$0x4080];
	v8 =	vsub.f32 v7, v1;
	[tilespmem:s21+$0x8090] =	vst v6;
	v4 =	vadd.f32 v5, v4;
	(pc) =	sbr.rel @p0 .LBB2_2-.Ltmp0, $4  }
0x2a: {  	v5 =	vsub.f32 v1, v7;
	s21 =	smov.u32 s20;
	s20 =	smov.u32 s23;
	v1 =	vld [tilespmem:s23+$0x80];
	v6 =	vmov v2  }
0x2b: {  	v2 =	vld [tilespmem:s20+$0x4090];
	v9 =	vsub.f32 v3, v6;
	v10 =	vsub.f32 v6, v3;
	v8 =	vmul.f32 v8, v8  }
0x2c: {  	v7 =	vadd.f32 v5, v7;
	v3 =	vld [tilespmem:s20+$0x90]  }
0x2d: {  	v6 =	vadd.f32 v9, v6;
	v4 =	vadd.f32 v8, v4;
	v5 =	vmul.f32 v10, v10  }
0x2e: {  	_ =	sdelay $0x1  }
0x2f: {  	v8 =	vsub.f32 v1, v0  }
0x30: {  	v9 =	vsub.f32 v3, v2  }
0x31: {  	[tilespmem:s21+$0x8080] =	vst v7;
	v7 =	vadd.f32 v8, v0  }
0x32: {  	[tilespmem:s21+$0x8090] =	vst v6;
	v6 =	vadd.f32 v9, v2  }
0x33: {  	[tilespmem:s20+$0x8080] =	vst v7  }
0x34: {  	s31 =	simm.s32 $0x0;
	[tilespmem:s20+$0x8090] =	vst v6  }
0x35: {  	[hbm4b:s6+s31] =	stream.linear.scatter [tilespmem:s17], [sflag:$0x3], $0x4000, $0x38;
	[tilespmem:$0xC100] =	vst v63  }
0x36: {  	_ =	swait.ge [sflag:s12], $0x4000  }
0x37: {  	[sflag:s12] =	ssyncset.done $0x0  }
0x38: {  	[sflag:s12] =	ssyncadd.s32 $0xFFFFC000  }
0x39: {  	[tilespmem:s31], [sflag:$0x3] =	stream.linear.gather [hbm4b:s7+s31], $0x80, $0x38;
	[tilespmem:$0xC100] =	vst v63  }
0x3a: {  	_ =	swait.ge [sflag:s12], $0x80  }
0x3b: {  	[sflag:s12] =	ssyncset.done $0x0  }
0x3c: {  	[sflag:s12] =	ssyncadd.s32 $0xFFFFFF80  }
0x3d: {  	[tilespmem:s13], [sflag:$0x1] =	stream.indirect.gather [hbm4b:s3+s13], $0x80, s31, s13, $0xb8;
	[tilespmem:$0xC100] =	vst v63  }
0x3e: {  	_ = 	snop  }
0x3f: {  	[tilespmem:s14], [sflag:$0x2] =	stream.linear.gather [hbm4b:s8+s31], $0x4000, $0x38;
	[tilespmem:$0xC100] =	vst v63  }
0x40: {  	_ =	swait.ge [sflag:s15], $0x4000  }
0x41: {  	[sflag:s15] =	ssyncset.done $0x0  }
0x42: {  	[sflag:s15] =	ssyncadd.s32 $0xFFFFC000  }
0x43: {  	_ =	swait.ge [sflag:s16], $0x4000  }
0x44: {  	[sflag:s16] =	ssyncset.done $0x0  }
0x45: {  	s20 =	simm.s32 $0x0;
	[sflag:s16] =	ssyncadd.s32 $0xFFFFC000  }
0x46: {  	v0 =	vsub.f32 v0, v1;
	v6 =	vld [tilespmem:s20+$0x4080]  }
0x47: {  	v1 =	vld [tilespmem:s20+$0x80]  }
0x48: {  	v4 =	vadd.f32 v5, v4;
	v2 =	vsub.f32 v2, v3;
	v0 =	vmul.f32 v0, v0;
	v8 =	vld [tilespmem:s20+$0x4090]  }
0x49: {  	v3 =	vld [tilespmem:s20+$0x90]  }
0x4a: {  	v0 =	vadd.f32 v0, v4;
	v2 =	vmul.f32 v2, v2  }
0x4b: {  	s21 =	simm.s32 $0x80  }
0x4c: {  	v63 =	vadd.f32 v2, v0;
	v0 =	vld [tilespmem:s21+$0x4080];
	v4 =	vsub.f32 v6, v1  }
0x4d: {  	v5 =	vsub.f32 v1, v6;
	v1 =	vld [tilespmem:s21+$0x80]  }
0x4e: {  	v2 =	vld [tilespmem:s21+$0x4090];
	v10 =	vsub.f32 v3, v8;
	v11 =	vsub.f32 v8, v3;
	v4 =	vmul.f32 v4, v4  }
0x4f: {  	v3 =	vld [tilespmem:s21+$0x90];
	v7 =	vadd.f32 v5, v6  }
0x50: {  	s22 =	simm.s32 $0x400;
	v5 =	vadd.f32 v10, v8;
	v6 =	vmul.f32 v11, v11;
	v4 =	vadd.f32 v4, v63  }
.LBB2_4:
0x51: {  	s23 =	sshra.s32 s22, $0x2;
	[tilespmem:s20+$0x8080] =	vst v7;
	v7 =	vmov v0;
	p0 =	sne.s32 s22, $0xFE00  }
.Ltmp1:
0x52: {  	s22 =	sadd.s32 $0x200, s22;
	v0 =	vld [tilespmem:s23+$0x4080];
	v8 =	vsub.f32 v7, v1;
	[tilespmem:s20+$0x8090] =	vst v5;
	v4 =	vadd.f32 v6, v4;
	(pc) =	sbr.rel @p0 .LBB2_4-.Ltmp1, $4  }
0x53: {  	v5 =	vsub.f32 v1, v7;
	s20 =	smov.u32 s21;
	s21 =	smov.u32 s23;
	v1 =	vld [tilespmem:s23+$0x80];
	v6 =	vmov v2  }
0x54: {  	v2 =	vld [tilespmem:s21+$0x4090];
	v9 =	vsub.f32 v3, v6;
	v10 =	vsub.f32 v6, v3;
	v8 =	vmul.f32 v8, v8  }
0x55: {  	v7 =	vadd.f32 v5, v7;
	v3 =	vld [tilespmem:s21+$0x90]  }
0x56: {  	v5 =	vadd.f32 v9, v6;
	v4 =	vadd.f32 v8, v4;
	v6 =	vmul.f32 v10, v10  }
0x57: {  	_ =	sdelay $0x1  }
0x58: {  	v8 =	vsub.f32 v1, v0  }
0x59: {  	v9 =	vsub.f32 v3, v2  }
0x5a: {  	[tilespmem:s20+$0x8080] =	vst v7;
	v58 =	vsub.f32 v0, v1;
	v59 =	vadd.f32 v8, v0  }
0x5b: {  	[tilespmem:s20+$0x8090] =	vst v5;
	v60 =	vadd.f32 v9, v2  }
0x5c: {  	v4 =	vadd.f32 v6, v4;
	v61 =	vsub.f32 v2, v3;
	v1 =	vmul.f32 v58, v58;
	[tilespmem:s21+$0x8080] =	vst v59  }
0x5d: {  	[tilespmem:s21+$0x8090] =	vst v60  }
0x5e: {  	v62 =	vadd.f32 v1, v4;
	v63 =	vmul.f32 v61, v61;
	[hbm4b:s9+s2] =	stream.linear.scatter [tilespmem:s17], [sflag:$0x3], $0x4000, $0x38;
	[tilespmem:$0xC100] =	vst v63  }
0x5f: {  	_ =	swait.ge [sflag:s12], $0x4000  }
0x60: {  	s19 =	sadd.s32 $0x1, s19;
	v0 =	vadd.f32 v63, v62;
	[sflag:s12] =	ssyncset.done $0x0  }
0x61: {  	p0 =	sne.s32 s19, s11;
	[sflag:s12] =	ssyncadd.s32 $0xFFFFC000  }
.Ltmp2:
0x62: {  	[tilespmem:$0xC080] =	vst v0;
	(pc) =	sbr.rel @p0 .LBB2_1-.Ltmp2, $4  }
0x63: {  	[hbm4b:s10+s2] =	stream.linear.scatter [tilespmem:s18], [sflag:$0x3], $0x80, $0x38;
	[tilespmem:$0xC100] =	vst v63  }
0x64: {  	_ =	swait.ge [sflag:s12], $0x80  }
0x65: {  	[sflag:s12] =	ssyncset.done $0x0  }
0x66: {  	[sflag:s12] =	ssyncadd.s32 $0xFFFFFF80  }
0x67: {  	_ =	sfence.sel $0x180000  }
0x68: {  	[bflag:$0x0] =	sbarrier.arrive $0xFFFF  }
0x69: {  	p0 =	sne.s32 s1, $0x0;
	_ =	strace $0x90000047  }
0x6a: {  	s0 =	sadd.s32 @!p0 $0x100000, s0;
	[bflag:$0x2] =	sbarrier.arrive $0xFFFF  }
0x6b: {  	[sflag:s0] =	ssyncadd.tile.s32 @!p0 $0x1;
	_ =	shalt  }
.Lfunc_end2:
_tile_overlayer_lowered:
.L_overlay_start_2:
0x6c: {  	(tag) =	ssettag $0x2  }
0x6d: {  	s0 =	rddreg [dreg:$0x0];
	s2 =	stileid.u32  }
0x6e: {  	s1 =	rddreg [dreg:$0x1];
	p0 =	sne.s32 s2, $0x0  }
0x6f: {  	s3 =	rddreg [dreg:$0x2];
	[bflag:$0x3] =	sbarrier.arrive $0xFFFF;
	s2 =	simm.s32 @!p0 $0x1C03  }
0x70: {  	[timem:s3], [sflag:s2] =	dma.local @!p0 [hbm:s0], s1  }
0x71: {  	s0 =	simm.s32 @!p0 $0x3  }
0x72: {  	_ =	swait.ge @!p0 [sflag:s0], s1  }
0x73: {  	s1 =	ssub.s32 @!p0 $0x0, s1;
	[sflag:s0] =	ssyncset.done @!p0 $0x0  }
0x74: {  	[sflag:s0] =	ssyncadd.s32 @!p0 s1  }
0x75: {  	[bflag:$0x3] =	sbarrier.arrive $0xFFFF  }
0x76: {  	_ =	shalt  }

</sc_bundles>
